<compile_context>
chip_gen: v7x
topology: tpu7x:2x2x1
jax: 0.10.2.dev20260603
libtpu: 0.0.44.dev20260713+nightly
codegen_flags: <defaults>
</compile_context>

<pallas_src>
import functools

import jax
import jax.numpy as jnp
from jax import lax
from jax.experimental import pallas as pl
from jax.experimental.pallas import tpu as pltpu
from jax.experimental.pallas import tpu_sc as plsc

B, S, DH = 2, 2048, 1024
DL, KH, K, W = 512, 4, 64, 9
HALF = (W - 1) // 2
SB = 1024
JB = 512
NC, NS = 2, 16
CH = S // NS
DL2 = DL // 2


def _stage_a_body(x_ref, w1_ref, b1_ref, rme_ref, wd_ref, a_ref, rmv_ref):
    x = x_ref[0]
    q = jnp.maximum(
        jnp.dot(x, w1_ref[...], preferred_element_type=jnp.float32)
        + b1_ref[...], 0.0)
    rmv_ref[0] = jnp.dot(q, rme_ref[...], preferred_element_type=jnp.float32)
    for h in range(KH):
        r = jnp.dot(q, wd_ref[h], preferred_element_type=jnp.float32)
        r = r.astype(jnp.bfloat16).astype(jnp.float32)
        lo = lax.shift_right_logical(
            lax.bitcast_convert_type(r[:, :DL2], jnp.int32), 16)
        hi = jnp.bitwise_and(
            lax.bitcast_convert_type(r[:, DL2:], jnp.int32),
            jnp.int32(-65536))
        a_ref[0, h] = lax.bitcast_convert_type(jnp.bitwise_or(lo, hi),
                                               jnp.float32)


def _stage_a(x, w1, b1, rme, wd):
    return pl.pallas_call(
        _stage_a_body,
        grid=(B, S // SB),
        in_specs=[
            pl.BlockSpec((1, SB, DH), lambda b, i: (b, i, 0)),
            pl.BlockSpec((DH, DL), lambda b, i: (0, 0)),
            pl.BlockSpec((1, DL), lambda b, i: (0, 0)),
            pl.BlockSpec((DL, K), lambda b, i: (0, 0)),
            pl.BlockSpec((KH, DL, DL), lambda b, i: (0, 0, 0)),
        ],
        out_specs=[
            pl.BlockSpec((1, KH, SB, DL2), lambda b, i: (b, 0, i, 0)),
            pl.BlockSpec((1, SB, K), lambda b, i: (b, i, 0)),
        ],
        out_shape=[
            jax.ShapeDtypeStruct((B, KH, S, DL2), jnp.float32),
            jax.ShapeDtypeStruct((B, S, K), jnp.float32),
        ],
    )(x, w1, b1, rme, wd)


def _stage_b1_body(rmv_ref, hm_ref):
    r = rmv_ref[0]
    mn = jnp.mean(r, axis=0, keepdims=True)
    var = jnp.mean(r * r, axis=0, keepdims=True) - mn * mn
    iota_k = lax.broadcasted_iota(jnp.int32, (1, K), 1)
    v = var
    for h in range(KH):
        m = jnp.max(v)
        idx_h = jnp.min(jnp.where(v == m, iota_k, K))
        mask = iota_k == idx_h
        col = jnp.sum(jnp.where(jnp.broadcast_to(mask, (S, K)), r, 0.0),
                      axis=1, keepdims=True)
        hm_ref[0, h] = col
        v = jnp.where(mask, -jnp.inf, v)


def _stage_b1(rmv):
    return pl.pallas_call(
        _stage_b1_body,
        grid=(B,),
        in_specs=[pl.BlockSpec((1, S, K), lambda b: (b, 0, 0))],
        out_specs=pl.BlockSpec((1, KH, S, 1), lambda b: (b, 0, 0, 0)),
        out_shape=jax.ShapeDtypeStruct((B, KH, S, 1), jnp.float32),
    )(rmv)


def _stage_b2_body(hmc_ref, hmr_ref, rank_ref):
    vrow = hmr_ref[0, 0]
    ilane = lax.broadcasted_iota(jnp.int32, (1, S), 1)
    acc = jnp.zeros((1, S), jnp.int32)
    for jc in range(S // JB):
        vcol = hmc_ref[0, 0, jc * JB:(jc + 1) * JB, :]
        jiota = lax.broadcasted_iota(jnp.int32, (JB, 1), 0) + jc * JB
        lt = vcol < vrow
        tie = jnp.logical_and(vcol == vrow, jiota < ilane)
        c = jnp.where(jnp.logical_or(lt, tie), 1, 0)
        acc = acc + jnp.sum(c, axis=0, keepdims=True)
    b = pl.program_id(0)
    h = pl.program_id(1)
    rank_ref[0, 0] = acc + (b * KH + h) * S


def _stage_b2(hm_col, hm_row):
    return pl.pallas_call(
        _stage_b2_body,
        grid=(B, KH),
        in_specs=[
            pl.BlockSpec((1, 1, S, 1), lambda b, h: (b, h, 0, 0)),
            pl.BlockSpec((1, 1, 1, S), lambda b, h: (b, h, 0, 0)),
        ],
        out_specs=pl.BlockSpec((1, 1, 1, S), lambda b, h: (b, h, 0, 0)),
        out_shape=jax.ShapeDtypeStruct((B, KH, 1, S), jnp.int32),
    )(hm_col, hm_row)


def _sc_scatter_body(a_hbm, rank_hbm, out_hbm, rows_v, idx_v):
    c = lax.axis_index("c")
    t = lax.axis_index("s")
    for h in range(KH):
        pltpu.sync_copy(rank_hbm.at[c, h, pl.ds(t * CH, CH)], idx_v.at[h])
        pltpu.sync_copy(a_hbm.at[c, h, pl.ds(t * CH, CH)], rows_v)
        pltpu.sync_copy(rows_v, out_hbm.at[idx_v.at[h]])


def _sc_scatter(a, rank):
    mesh = plsc.VectorSubcoreMesh(core_axis_name="c", subcore_axis_name="s",
                                  num_cores=NC, num_subcores=NS)
    fn = pl.kernel(
        _sc_scatter_body,
        out_type=jax.ShapeDtypeStruct((B * KH * S, DL2), jnp.float32),
        mesh=mesh,
        scratch_types=[
            pltpu.VMEM((CH, DL2), jnp.float32),
            pltpu.VMEM((KH, CH), jnp.int32),
        ],
    )
    return fn(a, rank)


CB = 512
SUB = 128
EXT = CB + 2 * HALF
KW = SUB + 2 * HALF


def _ln_residual(att, x, g, be):
    y = att + x
    mean = jnp.mean(y, axis=1, keepdims=True)
    var = jnp.mean((y - mean) ** 2, axis=1, keepdims=True)
    return g * (y - mean) / jnp.sqrt(var + 1e-3) + be


def _q2_rows(o4, bd):
    acc_lo = jnp.zeros(o4.shape[1:], jnp.float32)
    acc_hi = jnp.zeros(o4.shape[1:], jnp.float32)
    for h in range(KH):
        u = lax.bitcast_convert_type(o4[h], jnp.int32)
        acc_lo = acc_lo + lax.bitcast_convert_type(
            lax.shift_left(u, 16), jnp.float32)
        acc_hi = acc_hi + lax.bitcast_convert_type(
            jnp.bitwise_and(u, jnp.int32(-65536)), jnp.float32)
    q2 = jnp.concatenate([acc_lo, acc_hi], axis=1)
    return jnp.maximum(q2 + bd, 0.0)


def _edge_fix(ext, v_ext, x_ref, g, be, o_ref, q_lo, k_lo, row_lo, f):
    qe = ext[q_lo:q_lo + HALF, :]
    ke = ext[k_lo:k_lo + W, :]
    sc = lax.dot_general(qe, ke, (((1,), (1,)), ((), ())),
                         preferred_element_type=jnp.float32) / f
    sc = sc - jnp.max(sc, axis=1, keepdims=True)
    e = jnp.exp(sc)
    p = e / jnp.sum(e, axis=1, keepdims=True)
    oa = jnp.dot(p, v_ext[k_lo:k_lo + W, :],
                 preferred_element_type=jnp.float32)
    o_ref[0, row_lo:row_lo + HALF] = _ln_residual(
        oa, x_ref[0, row_lo:row_lo + HALF, :], g, be)


def _stage_c_body(qp_ref, qc_ref, qn_ref, x_ref, wu_ref, bd_ref, bu_ref,
                  g_ref, be_ref, o_ref):
    i = pl.program_id(1)
    ni = pl.num_programs(1)
    bd = bd_ref[...]
    ext = jnp.concatenate(
        [_q2_rows(qp_ref[0, :, 8 - HALF:, :], bd),
         _q2_rows(qc_ref[0], bd),
         _q2_rows(qn_ref[0, :, :HALF, :], bd)],
        axis=0)
    v_ext = jnp.maximum(
        jnp.dot(ext, wu_ref[...], preferred_element_type=jnp.float32)
        + bu_ref[...], 0.0)
    f = jnp.sqrt(jnp.float32(DL))
    g = g_ref[...]
    be = be_ref[...]
    srow = lax.broadcasted_iota(jnp.int32, (SUB, KW), 0)
    scol = lax.broadcasted_iota(jnp.int32, (SUB, KW), 1)
    band = jnp.logical_and(scol >= srow, scol <= srow + 2 * HALF)
    for sb in range(CB // SUB):
        r0 = sb * SUB
        qsb = ext[HALF + r0:HALF + r0 + SUB, :]
        kext = ext[r0:r0 + KW, :]
        sc = lax.dot_general(qsb, kext, (((1,), (1,)), ((), ())),
                             preferred_element_type=jnp.float32) / f
        msc = jnp.where(band, sc, -jnp.inf)
        e = jnp.exp(msc - jnp.max(msc, axis=1, keepdims=True))
        p = e / jnp.sum(e, axis=1, keepdims=True)
        oa = jnp.dot(p, v_ext[r0:r0 + KW, :],
                     preferred_element_type=jnp.float32)
        o_ref[0, r0:r0 + SUB] = _ln_residual(
            oa, x_ref[0, r0:r0 + SUB, :], g, be)
    @pl.when(i == 0)
    def _():
        _edge_fix(ext, v_ext, x_ref, g, be, o_ref,
                  q_lo=HALF, k_lo=HALF, row_lo=0, f=f)

    @pl.when(i == ni - 1)
    def _():
        _edge_fix(ext, v_ext, x_ref, g, be, o_ref,
                  q_lo=CB, k_lo=CB - W + HALF, row_lo=CB - HALF, f=f)


def _stage_c(out4, x, wu, bd, bu, gamma, beta):
    nblk = S // CB
    return pl.pallas_call(
        _stage_c_body,
        grid=(B, nblk),
        in_specs=[
            pl.BlockSpec((1, KH, 8, DL2),
                         lambda b, i: (b, 0,
                                       jnp.maximum(i * (CB // 8) - 1, 0), 0)),
            pl.BlockSpec((1, KH, CB, DL2), lambda b, i: (b, 0, i, 0)),
            pl.BlockSpec((1, KH, 8, DL2),
                         lambda b, i: (b, 0,
                                       jnp.minimum((i + 1) * (CB // 8),
                                                   S // 8 - 1), 0)),
            pl.BlockSpec((1, CB, DH), lambda b, i: (b, i, 0)),
            pl.BlockSpec((DL, DH), lambda b, i: (0, 0)),
            pl.BlockSpec((1, DL), lambda b, i: (0, 0)),
            pl.BlockSpec((1, DH), lambda b, i: (0, 0)),
            pl.BlockSpec((1, DH), lambda b, i: (0, 0)),
            pl.BlockSpec((1, DH), lambda b, i: (0, 0)),
        ],
        out_specs=pl.BlockSpec((1, CB, DH), lambda b, i: (b, i, 0)),
        out_shape=jax.ShapeDtypeStruct((B, S, DH), jnp.float32),
    )(out4, out4, out4, x, wu, bd, bu, gamma, beta)


def kernel(inputs, W1, b1, RME, Wd, bd, Wu, bu, gamma, beta):
    a, rmv = _stage_a(inputs, W1, b1.reshape(1, DL), RME, Wd)
    hm_col = _stage_b1(rmv)
    hm_row = hm_col.reshape(B, KH, 1, S)
    rank = _stage_b2(hm_col, hm_row)
    out4 = _sc_scatter(a, rank.reshape(B, KH, S))
    out4 = out4.reshape(B, KH, S, DL2)
    return _stage_c(out4, inputs, Wu, bd.reshape(1, DL), bu.reshape(1, DH),
                    gamma.reshape(1, DH), beta.reshape(1, DH))

# --- scband reference (transcript-rebuilt; emitter-appended) ---
"""Pipeline reference for scband-sim-attention-88630945120837 (READ-ONLY COPY).

The authoritative reference and input builder live on the scoring server;
editing this copy changes nothing except your own understanding.
"""

import jax, jax.numpy as jnp
import numpy as np

B, S, D_H = 2, 2048, 1024
D_L, K_H, K, W = 512, 4, 64, 9


def setup_inputs(seed: int = 0) -> dict:
    key = jax.random.key(seed)
    ks = jax.random.split(key, 8)
    return {
        "inputs": jax.random.normal(ks[0], (B, S, D_H), dtype=jnp.float32),
        "W1": jax.random.normal(ks[1], (D_H, D_L), dtype=jnp.float32) * 0.02,
        "b1": jnp.zeros((D_L,), dtype=jnp.float32),
        "RME": jax.random.normal(ks[2], (D_L, K), dtype=jnp.float32),
        "Wd": jax.random.normal(ks[3], (K_H, D_L, D_L), dtype=jnp.float32) * 0.02,
        "bd": jnp.zeros((D_L,), dtype=jnp.float32),
        "Wu": jax.random.normal(ks[4], (D_L, D_H), dtype=jnp.float32) * 0.02,
        "bu": jnp.zeros((D_H,), dtype=jnp.float32),
        "gamma": jnp.ones((D_H,), dtype=jnp.float32),
        "beta": jnp.zeros((D_H,), dtype=jnp.float32),
    }


def _memory_reorg(activations, RMVs, k_h):
    # RMVs: [B, S, k] -> [B, k, S]
    R = jnp.transpose(RMVs, (0, 2, 1))
    h_vars = jnp.mean((R - jnp.mean(R, axis=-1, keepdims=True)) ** 2, axis=-1)  # [B, k]
    top_idx = jnp.argsort(-h_vars, axis=-1)[:, :k_h]  # descending, [B, k_h]
    h_max = jnp.take_along_axis(R, top_idx[:, :, None], axis=1)  # [B, k_h, S]
    perm = jnp.argsort(h_max, axis=-1)  # [B, k_h, S]
    # gather activations [B, S, d] along seq per hash bucket -> [B, k_h, S, d]
    gathered = jnp.take_along_axis(activations[:, None, :, :], perm[:, :, :, None], axis=2)
    return jnp.transpose(gathered, (0, 2, 1, 3))  # [B, S, k_h, d]


def _forward(inputs, W1, b1, RME, Wd, bd, Wu, bu, gamma, beta):
    # DOWN_PROJECTION_1: Dense(d_l, relu)
    q = jax.nn.relu(jnp.einsum('bsd,dl->bsl', inputs, W1) + b1)  # [B, S, d_l]
    # RANDOM_PROJECTION
    RMVs = jnp.einsum('bsl,lk->bsk', q, RME)  # [B, S, k]
    # Memory reorganization
    q4 = _memory_reorg(q, RMVs, K_H)  # [B, S, k_h, d_l]
    # DOWN_PROJECTION_2: einsum('abcd,cde->abe') + bias, relu
    q = jax.nn.relu(jnp.einsum('bshl,hle->bse', q4, Wd) + bd)  # [B, S, d_l]
    half = (W - 1) // 2
    # sliding windows (tf.image.extract_patches VALID over seq)
    idx = jnp.arange(S - W + 1)[:, None] + jnp.arange(W)[None, :]  # [S-W+1, W]
    temp2 = q[:, idx, :]  # [B, S-W+1, W, d_l]
    temp1 = jnp.tile(q[:, None, :W, :], (1, half, 1, 1))
    temp3 = jnp.tile(q[:, None, -W:, :], (1, half, 1, 1))
    key_t = jnp.concatenate([temp1, temp2, temp3], axis=1)  # [B, S, W, d_l]
    f = jnp.sqrt(jnp.asarray(q.shape[-1], dtype=jnp.float32))
    scores = jax.nn.softmax(jnp.einsum('bsl,bswl->bsw', q, key_t) / f, axis=-1)  # [B, S, W]
    # UP_PROJECTION: Dense(d_h, relu) on key windows
    value = jax.nn.relu(jnp.einsum('bswl,ld->bswd', key_t, Wu) + bu)  # [B, S, W, d_h]
    value = jnp.einsum('bswd,bsw->bsd', value, scores)  # [B, S, d_h]
    # LayerNorm (Keras default eps=1e-3) over residual
    x = value + inputs
    mean = jnp.mean(x, axis=-1, keepdims=True)
    var = jnp.mean((x - mean) ** 2, axis=-1, keepdims=True)
    return gamma * (x - mean) / jnp.sqrt(var + 1e-3) + beta


def reference(inputs, W1, b1, RME, Wd, bd, Wu, bu, gamma, beta):
    return _forward(inputs, W1, b1, RME, Wd, bd, Wu, bu, gamma, beta)

if __name__ == "__main__":
    import jax
    _d = setup_inputs()
    print(jax.jit(kernel)(*tuple(_d.values())))

</pallas_src>

<mosaic_0001>
#map = affine_map<(d0, d1) -> (0, 0, 0, 0)>
#map1 = affine_map<(d0, d1) -> (0, 0, 0)>
#map2 = affine_map<(d0, d1) -> (0, 0)>
module attributes {stable_mosaic.version = 14 : i64} {
  func.func @_sc_scatter_body(%arg0: i32, %arg1: i32, %arg2: memref<2x4x2048x256xf32, #tpu.memory_space<hbm>>, %arg3: memref<2x4x2048xi32, #tpu.memory_space<hbm>>, %arg4: memref<16384x256xf32, #tpu.memory_space<hbm>>, %arg5: memref<128x256xf32, #tpu.memory_space<vmem>>, %arg6: memref<4x128xi32, #tpu.memory_space<vmem>>) attributes {dimension_semantics = [#tpu.dimension_semantics<core_parallel>, #tpu.dimension_semantics<subcore_parallel>], iteration_bounds = array<i64: 2, 16>, scalar_prefetch = 0 : i64, scratch_operands = 2 : i64, tpu.core_type = #tpu.core_type<sc_vector_subcore>, window_params = [{transform_indices = #map}, {transform_indices = #map1}, {transform_indices = #map2}]} {
    %mul3A = arith.constant 128 : i32
    %mul3A_0 = arith.muli %arg1, %mul3A : i32
    %run_scoped3A = arith.constant 0 : i32
    %run_scoped3A_1 = arith.constant 0 : i32
    "tpu.region"() ({
      %run_scoped3A_30 = tpu.sem_alloc : memref<!tpu.dma_semaphore, #tpu.memory_space<semaphore_mem>>
      %dma_start3A = arith.constant 0 : i32
      %dma_start3A_31 = tpu.memref_slice %arg6[%run_scoped3A_1, %dma_start3A] : memref<4x128xi32, #tpu.memory_space<vmem>> -> memref<1x128xi32, #tpu.memory_space<vmem>>
      %dma_start3A_32 = tpu.memref_squeeze %dma_start3A_31 : memref<1x128xi32, #tpu.memory_space<vmem>> -> memref<128xi32, #tpu.memory_space<vmem>>
      %dma_start3A_33 = tpu.memref_slice %arg3[%arg0, %run_scoped3A, %mul3A_0] : memref<2x4x2048xi32, #tpu.memory_space<hbm>> -> memref<1x1x128xi32, #tpu.memory_space<hbm>>
      %dma_start3A_34 = tpu.memref_squeeze %dma_start3A_33 : memref<1x1x128xi32, #tpu.memory_space<hbm>> -> memref<128xi32, #tpu.memory_space<hbm>>
      %dma_start3A_35 = arith.constant 0 : i32
      %dma_start3A_36 = tpu.memref_slice %arg6[%run_scoped3A_1, %dma_start3A_35] : memref<4x128xi32, #tpu.memory_space<vmem>> -> memref<1x128xi32, #tpu.memory_space<vmem>>
      %dma_start3A_37 = tpu.memref_squeeze %dma_start3A_36 : memref<1x128xi32, #tpu.memory_space<vmem>> -> memref<128xi32, #tpu.memory_space<vmem>>
      %dma_start3A_38 = tpu.memref_slice %arg3[%arg0, %run_scoped3A, %mul3A_0] : memref<2x4x2048xi32, #tpu.memory_space<hbm>> -> memref<1x1x128xi32, #tpu.memory_space<hbm>>
      %dma_start3A_39 = tpu.memref_squeeze %dma_start3A_38 : memref<1x1x128xi32, #tpu.memory_space<hbm>> -> memref<128xi32, #tpu.memory_space<hbm>>
      tpu.enqueue_dma source(%dma_start3A_39 : memref<128xi32, #tpu.memory_space<hbm>>) target(%dma_start3A_37 : memref<128xi32, #tpu.memory_space<vmem>>) target_semaphore(%run_scoped3A_30 : memref<!tpu.dma_semaphore, #tpu.memory_space<semaphore_mem>>)
      %dma_wait3A = arith.constant 0 : i32
      %dma_wait3A_40 = tpu.memref_slice %arg6[%run_scoped3A_1, %dma_wait3A] : memref<4x128xi32, #tpu.memory_space<vmem>> -> memref<1x128xi32, #tpu.memory_space<vmem>>
      %dma_wait3A_41 = tpu.memref_squeeze %dma_wait3A_40 : memref<1x128xi32, #tpu.memory_space<vmem>> -> memref<128xi32, #tpu.memory_space<vmem>>
      %dma_wait3A_42 = tpu.memref_slice %arg3[%arg0, %run_scoped3A, %mul3A_0] : memref<2x4x2048xi32, #tpu.memory_space<hbm>> -> memref<1x1x128xi32, #tpu.memory_space<hbm>>
      %dma_wait3A_43 = tpu.memref_squeeze %dma_wait3A_42 : memref<1x1x128xi32, #tpu.memory_space<hbm>> -> memref<128xi32, #tpu.memory_space<hbm>>
      %dma_wait3A_44 = arith.constant 0 : i32
      %dma_wait3A_45 = tpu.memref_slice %arg6[%run_scoped3A_1, %dma_wait3A_44] : memref<4x128xi32, #tpu.memory_space<vmem>> -> memref<1x128xi32, #tpu.memory_space<vmem>>
      %dma_wait3A_46 = tpu.memref_squeeze %dma_wait3A_45 : memref<1x128xi32, #tpu.memory_space<vmem>> -> memref<128xi32, #tpu.memory_space<vmem>>
      %dma_wait3A_47 = tpu.memref_slice %arg3[%arg0, %run_scoped3A, %mul3A_0] : memref<2x4x2048xi32, #tpu.memory_space<hbm>> -> memref<1x1x128xi32, #tpu.memory_space<hbm>>
      %dma_wait3A_48 = tpu.memref_squeeze %dma_wait3A_47 : memref<1x1x128xi32, #tpu.memory_space<hbm>> -> memref<128xi32, #tpu.memory_space<hbm>>
      tpu.wait_dma2 semaphore(%run_scoped3A_30 : memref<!tpu.dma_semaphore, #tpu.memory_space<semaphore_mem>>) src(%dma_wait3A_48 : memref<128xi32, #tpu.memory_space<hbm>>) dst(%dma_wait3A_46 : memref<128xi32, #tpu.memory_space<vmem>>)
      tpu.yield
    }) : () -> ()
    %mul3A_2 = arith.constant 128 : i32
    %mul3A_3 = arith.muli %arg1, %mul3A_2 : i32
    %run_scoped3A_4 = arith.constant 0 : i32
    "tpu.region"() ({
      %run_scoped3A_30 = tpu.sem_alloc : memref<!tpu.dma_semaphore, #tpu.memory_space<semaphore_mem>>
      %dma_start3A = arith.constant 0 : i32
      %dma_start3A_31 = tpu.memref_slice %arg2[%arg0, %run_scoped3A_4, %mul3A_3, %dma_start3A] : memref<2x4x2048x256xf32, #tpu.memory_space<hbm>> -> memref<1x1x128x256xf32, #tpu.memory_space<hbm>>
      %dma_start3A_32 = tpu.memref_squeeze %dma_start3A_31 : memref<1x1x128x256xf32, #tpu.memory_space<hbm>> -> memref<128x256xf32, #tpu.memory_space<hbm>>
      %dma_start3A_33 = arith.constant 0 : i32
      %dma_start3A_34 = tpu.memref_slice %arg2[%arg0, %run_scoped3A_4, %mul3A_3, %dma_start3A_33] : memref<2x4x2048x256xf32, #tpu.memory_space<hbm>> -> memref<1x1x128x256xf32, #tpu.memory_space<hbm>>
      %dma_start3A_35 = tpu.memref_squeeze %dma_start3A_34 : memref<1x1x128x256xf32, #tpu.memory_space<hbm>> -> memref<128x256xf32, #tpu.memory_space<hbm>>
      tpu.enqueue_dma source(%dma_start3A_35 : memref<128x256xf32, #tpu.memory_space<hbm>>) target(%arg5 : memref<128x256xf32, #tpu.memory_space<vmem>>) target_semaphore(%run_scoped3A_30 : memref<!tpu.dma_semaphore, #tpu.memory_space<semaphore_mem>>)
      %dma_wait3A = arith.constant 0 : i32
      %dma_wait3A_36 = tpu.memref_slice %arg2[%arg0, %run_scoped3A_4, %mul3A_3, %dma_wait3A] : memref<2x4x2048x256xf32, #tpu.memory_space<hbm>> -> memref<1x1x128x256xf32, #tpu.memory_space<hbm>>
      %dma_wait3A_37 = tpu.memref_squeeze %dma_wait3A_36 : memref<1x1x128x256xf32, #tpu.memory_space<hbm>> -> memref<128x256xf32, #tpu.memory_space<hbm>>
      %dma_wait3A_38 = arith.constant 0 : i32
      %dma_wait3A_39 = tpu.memref_slice %arg2[%arg0, %run_scoped3A_4, %mul3A_3, %dma_wait3A_38] : memref<2x4x2048x256xf32, #tpu.memory_space<hbm>> -> memref<1x1x128x256xf32, #tpu.memory_space<hbm>>
      %dma_wait3A_40 = tpu.memref_squeeze %dma_wait3A_39 : memref<1x1x128x256xf32, #tpu.memory_space<hbm>> -> memref<128x256xf32, #tpu.memory_space<hbm>>
      tpu.wait_dma2 semaphore(%run_scoped3A_30 : memref<!tpu.dma_semaphore, #tpu.memory_space<semaphore_mem>>) src(%dma_wait3A_40 : memref<128x256xf32, #tpu.memory_space<hbm>>) dst(%arg5 : memref<128x256xf32, #tpu.memory_space<vmem>>)
      tpu.yield
    }) : () -> ()
    %run_scoped3A_5 = arith.constant 0 : i32
    "tpu.region"() ({
      %run_scoped3A_30 = tpu.sem_alloc : memref<!tpu.dma_semaphore, #tpu.memory_space<semaphore_mem>>
      %dma_start3A = arith.constant 0 : i32
      %dma_start3A_31 = tpu.memref_slice %arg6[%run_scoped3A_5, %dma_start3A] : memref<4x128xi32, #tpu.memory_space<vmem>> -> memref<1x128xi32, #tpu.memory_space<vmem>>
      %dma_start3A_32 = tpu.memref_squeeze %dma_start3A_31 : memref<1x128xi32, #tpu.memory_space<vmem>> -> memref<128xi32, #tpu.memory_space<vmem>>
      %dma_start3A_33 = arith.constant 0 : i32
      %dma_start3A_34 = arith.constant 0 : i32
      %dma_start3A_35 = tpu.memref_slice %arg4[%dma_start3A_33, %dma_start3A_34] : memref<16384x256xf32, #tpu.memory_space<hbm>> -> memref<16384x256xf32, #tpu.memory_space<hbm>>
      tpu.enqueue_indirect_dma source(%arg5 : memref<128x256xf32, #tpu.memory_space<vmem>>) target(%dma_start3A_35 : memref<16384x256xf32, #tpu.memory_space<hbm>>) offsets(%dma_start3A_32 : memref<128xi32, #tpu.memory_space<vmem>>) semaphore(%run_scoped3A_30 : memref<!tpu.dma_semaphore, #tpu.memory_space<semaphore_mem>>)
      %dma_wait3A = arith.constant 0 : i32
      %dma_wait3A_36 = tpu.memref_slice %arg6[%run_scoped3A_5, %dma_wait3A] : memref<4x128xi32, #tpu.memory_space<vmem>> -> memref<1x128xi32, #tpu.memory_space<vmem>>
      %dma_wait3A_37 = tpu.memref_squeeze %dma_wait3A_36 : memref<1x128xi32, #tpu.memory_space<vmem>> -> memref<128xi32, #tpu.memory_space<vmem>>
      %dma_wait3A_38 = arith.constant 0 : i32
      %dma_wait3A_39 = arith.constant 0 : i32
      %dma_wait3A_40 = tpu.memref_slice %arg4[%dma_wait3A_38, %dma_wait3A_39] : memref<16384x256xf32, #tpu.memory_space<hbm>> -> memref<16384x256xf32, #tpu.memory_space<hbm>>
      tpu.wait_indirect_dma semaphore(%run_scoped3A_30 : memref<!tpu.dma_semaphore, #tpu.memory_space<semaphore_mem>>) src(%arg5 : memref<128x256xf32, #tpu.memory_space<vmem>>) dst(%dma_wait3A_40 : memref<16384x256xf32, #tpu.memory_space<hbm>>)
      tpu.yield
    }) : () -> ()
    %mul3A_6 = arith.constant 128 : i32
    %mul3A_7 = arith.muli %arg1, %mul3A_6 : i32
    %run_scoped3A_8 = arith.constant 1 : i32
    %run_scoped3A_9 = arith.constant 1 : i32
    "tpu.region"() ({
      %run_scoped3A_30 = tpu.sem_alloc : memref<!tpu.dma_semaphore, #tpu.memory_space<semaphore_mem>>
      %dma_start3A = arith.constant 0 : i32
      %dma_start3A_31 = tpu.memref_slice %arg6[%run_scoped3A_9, %dma_start3A] : memref<4x128xi32, #tpu.memory_space<vmem>> -> memref<1x128xi32, #tpu.memory_space<vmem>>
      %dma_start3A_32 = tpu.memref_squeeze %dma_start3A_31 : memref<1x128xi32, #tpu.memory_space<vmem>> -> memref<128xi32, #tpu.memory_space<vmem>>
      %dma_start3A_33 = tpu.memref_slice %arg3[%arg0, %run_scoped3A_8, %mul3A_7] : memref<2x4x2048xi32, #tpu.memory_space<hbm>> -> memref<1x1x128xi32, #tpu.memory_space<hbm>>
      %dma_start3A_34 = tpu.memref_squeeze %dma_start3A_33 : memref<1x1x128xi32, #tpu.memory_space<hbm>> -> memref<128xi32, #tpu.memory_space<hbm>>
      %dma_start3A_35 = arith.constant 0 : i32
      %dma_start3A_36 = tpu.memref_slice %arg6[%run_scoped3A_9, %dma_start3A_35] : memref<4x128xi32, #tpu.memory_space<vmem>> -> memref<1x128xi32, #tpu.memory_space<vmem>>
      %dma_start3A_37 = tpu.memref_squeeze %dma_start3A_36 : memref<1x128xi32, #tpu.memory_space<vmem>> -> memref<128xi32, #tpu.memory_space<vmem>>
      %dma_start3A_38 = tpu.memref_slice %arg3[%arg0, %run_scoped3A_8, %mul3A_7] : memref<2x4x2048xi32, #tpu.memory_space<hbm>> -> memref<1x1x128xi32, #tpu.memory_space<hbm>>
      %dma_start3A_39 = tpu.memref_squeeze %dma_start3A_38 : memref<1x1x128xi32, #tpu.memory_space<hbm>> -> memref<128xi32, #tpu.memory_space<hbm>>
      tpu.enqueue_dma source(%dma_start3A_39 : memref<128xi32, #tpu.memory_space<hbm>>) target(%dma_start3A_37 : memref<128xi32, #tpu.memory_space<vmem>>) target_semaphore(%run_scoped3A_30 : memref<!tpu.dma_semaphore, #tpu.memory_space<semaphore_mem>>)
      %dma_wait3A = arith.constant 0 : i32
      %dma_wait3A_40 = tpu.memref_slice %arg6[%run_scoped3A_9, %dma_wait3A] : memref<4x128xi32, #tpu.memory_space<vmem>> -> memref<1x128xi32, #tpu.memory_space<vmem>>
      %dma_wait3A_41 = tpu.memref_squeeze %dma_wait3A_40 : memref<1x128xi32, #tpu.memory_space<vmem>> -> memref<128xi32, #tpu.memory_space<vmem>>
      %dma_wait3A_42 = tpu.memref_slice %arg3[%arg0, %run_scoped3A_8, %mul3A_7] : memref<2x4x2048xi32, #tpu.memory_space<hbm>> -> memref<1x1x128xi32, #tpu.memory_space<hbm>>
      %dma_wait3A_43 = tpu.memref_squeeze %dma_wait3A_42 : memref<1x1x128xi32, #tpu.memory_space<hbm>> -> memref<128xi32, #tpu.memory_space<hbm>>
      %dma_wait3A_44 = arith.constant 0 : i32
      %dma_wait3A_45 = tpu.memref_slice %arg6[%run_scoped3A_9, %dma_wait3A_44] : memref<4x128xi32, #tpu.memory_space<vmem>> -> memref<1x128xi32, #tpu.memory_space<vmem>>
      %dma_wait3A_46 = tpu.memref_squeeze %dma_wait3A_45 : memref<1x128xi32, #tpu.memory_space<vmem>> -> memref<128xi32, #tpu.memory_space<vmem>>
      %dma_wait3A_47 = tpu.memref_slice %arg3[%arg0, %run_scoped3A_8, %mul3A_7] : memref<2x4x2048xi32, #tpu.memory_space<hbm>> -> memref<1x1x128xi32, #tpu.memory_space<hbm>>
      %dma_wait3A_48 = tpu.memref_squeeze %dma_wait3A_47 : memref<1x1x128xi32, #tpu.memory_space<hbm>> -> memref<128xi32, #tpu.memory_space<hbm>>
      tpu.wait_dma2 semaphore(%run_scoped3A_30 : memref<!tpu.dma_semaphore, #tpu.memory_space<semaphore_mem>>) src(%dma_wait3A_48 : memref<128xi32, #tpu.memory_space<hbm>>) dst(%dma_wait3A_46 : memref<128xi32, #tpu.memory_space<vmem>>)
      tpu.yield
    }) : () -> ()
    %mul3A_10 = arith.constant 128 : i32
    %mul3A_11 = arith.muli %arg1, %mul3A_10 : i32
    %run_scoped3A_12 = arith.constant 1 : i32
    "tpu.region"() ({
      %run_scoped3A_30 = tpu.sem_alloc : memref<!tpu.dma_semaphore, #tpu.memory_space<semaphore_mem>>
      %dma_start3A = arith.constant 0 : i32
      %dma_start3A_31 = tpu.memref_slice %arg2[%arg0, %run_scoped3A_12, %mul3A_11, %dma_start3A] : memref<2x4x2048x256xf32, #tpu.memory_space<hbm>> -> memref<1x1x128x256xf32, #tpu.memory_space<hbm>>
      %dma_start3A_32 = tpu.memref_squeeze %dma_start3A_31 : memref<1x1x128x256xf32, #tpu.memory_space<hbm>> -> memref<128x256xf32, #tpu.memory_space<hbm>>
      %dma_start3A_33 = arith.constant 0 : i32
      %dma_start3A_34 = tpu.memref_slice %arg2[%arg0, %run_scoped3A_12, %mul3A_11, %dma_start3A_33] : memref<2x4x2048x256xf32, #tpu.memory_space<hbm>> -> memref<1x1x128x256xf32, #tpu.memory_space<hbm>>
      %dma_start3A_35 = tpu.memref_squeeze %dma_start3A_34 : memref<1x1x128x256xf32, #tpu.memory_space<hbm>> -> memref<128x256xf32, #tpu.memory_space<hbm>>
      tpu.enqueue_dma source(%dma_start3A_35 : memref<128x256xf32, #tpu.memory_space<hbm>>) target(%arg5 : memref<128x256xf32, #tpu.memory_space<vmem>>) target_semaphore(%run_scoped3A_30 : memref<!tpu.dma_semaphore, #tpu.memory_space<semaphore_mem>>)
      %dma_wait3A = arith.constant 0 : i32
      %dma_wait3A_36 = tpu.memref_slice %arg2[%arg0, %run_scoped3A_12, %mul3A_11, %dma_wait3A] : memref<2x4x2048x256xf32, #tpu.memory_space<hbm>> -> memref<1x1x128x256xf32, #tpu.memory_space<hbm>>
      %dma_wait3A_37 = tpu.memref_squeeze %dma_wait3A_36 : memref<1x1x128x256xf32, #tpu.memory_space<hbm>> -> memref<128x256xf32, #tpu.memory_space<hbm>>
      %dma_wait3A_38 = arith.constant 0 : i32
      %dma_wait3A_39 = tpu.memref_slice %arg2[%arg0, %run_scoped3A_12, %mul3A_11, %dma_wait3A_38] : memref<2x4x2048x256xf32, #tpu.memory_space<hbm>> -> memref<1x1x128x256xf32, #tpu.memory_space<hbm>>
      %dma_wait3A_40 = tpu.memref_squeeze %dma_wait3A_39 : memref<1x1x128x256xf32, #tpu.memory_space<hbm>> -> memref<128x256xf32, #tpu.memory_space<hbm>>
      tpu.wait_dma2 semaphore(%run_scoped3A_30 : memref<!tpu.dma_semaphore, #tpu.memory_space<semaphore_mem>>) src(%dma_wait3A_40 : memref<128x256xf32, #tpu.memory_space<hbm>>) dst(%arg5 : memref<128x256xf32, #tpu.memory_space<vmem>>)
      tpu.yield
    }) : () -> ()
    %run_scoped3A_13 = arith.constant 1 : i32
    "tpu.region"() ({
      %run_scoped3A_30 = tpu.sem_alloc : memref<!tpu.dma_semaphore, #tpu.memory_space<semaphore_mem>>
      %dma_start3A = arith.constant 0 : i32
      %dma_start3A_31 = tpu.memref_slice %arg6[%run_scoped3A_13, %dma_start3A] : memref<4x128xi32, #tpu.memory_space<vmem>> -> memref<1x128xi32, #tpu.memory_space<vmem>>
      %dma_start3A_32 = tpu.memref_squeeze %dma_start3A_31 : memref<1x128xi32, #tpu.memory_space<vmem>> -> memref<128xi32, #tpu.memory_space<vmem>>
      %dma_start3A_33 = arith.constant 0 : i32
      %dma_start3A_34 = arith.constant 0 : i32
      %dma_start3A_35 = tpu.memref_slice %arg4[%dma_start3A_33, %dma_start3A_34] : memref<16384x256xf32, #tpu.memory_space<hbm>> -> memref<16384x256xf32, #tpu.memory_space<hbm>>
      tpu.enqueue_indirect_dma source(%arg5 : memref<128x256xf32, #tpu.memory_space<vmem>>) target(%dma_start3A_35 : memref<16384x256xf32, #tpu.memory_space<hbm>>) offsets(%dma_start3A_32 : memref<128xi32, #tpu.memory_space<vmem>>) semaphore(%run_scoped3A_30 : memref<!tpu.dma_semaphore, #tpu.memory_space<semaphore_mem>>)
      %dma_wait3A = arith.constant 0 : i32
      %dma_wait3A_36 = tpu.memref_slice %arg6[%run_scoped3A_13, %dma_wait3A] : memref<4x128xi32, #tpu.memory_space<vmem>> -> memref<1x128xi32, #tpu.memory_space<vmem>>
      %dma_wait3A_37 = tpu.memref_squeeze %dma_wait3A_36 : memref<1x128xi32, #tpu.memory_space<vmem>> -> memref<128xi32, #tpu.memory_space<vmem>>
      %dma_wait3A_38 = arith.constant 0 : i32
      %dma_wait3A_39 = arith.constant 0 : i32
      %dma_wait3A_40 = tpu.memref_slice %arg4[%dma_wait3A_38, %dma_wait3A_39] : memref<16384x256xf32, #tpu.memory_space<hbm>> -> memref<16384x256xf32, #tpu.memory_space<hbm>>
      tpu.wait_indirect_dma semaphore(%run_scoped3A_30 : memref<!tpu.dma_semaphore, #tpu.memory_space<semaphore_mem>>) src(%arg5 : memref<128x256xf32, #tpu.memory_space<vmem>>) dst(%dma_wait3A_40 : memref<16384x256xf32, #tpu.memory_space<hbm>>)
      tpu.yield
    }) : () -> ()
    %mul3A_14 = arith.constant 128 : i32
    %mul3A_15 = arith.muli %arg1, %mul3A_14 : i32
    %run_scoped3A_16 = arith.constant 2 : i32
    %run_scoped3A_17 = arith.constant 2 : i32
    "tpu.region"() ({
      %run_scoped3A_30 = tpu.sem_alloc : memref<!tpu.dma_semaphore, #tpu.memory_space<semaphore_mem>>
      %dma_start3A = arith.constant 0 : i32
      %dma_start3A_31 = tpu.memref_slice %arg6[%run_scoped3A_17, %dma_start3A] : memref<4x128xi32, #tpu.memory_space<vmem>> -> memref<1x128xi32, #tpu.memory_space<vmem>>
      %dma_start3A_32 = tpu.memref_squeeze %dma_start3A_31 : memref<1x128xi32, #tpu.memory_space<vmem>> -> memref<128xi32, #tpu.memory_space<vmem>>
      %dma_start3A_33 = tpu.memref_slice %arg3[%arg0, %run_scoped3A_16, %mul3A_15] : memref<2x4x2048xi32, #tpu.memory_space<hbm>> -> memref<1x1x128xi32, #tpu.memory_space<hbm>>
      %dma_start3A_34 = tpu.memref_squeeze %dma_start3A_33 : memref<1x1x128xi32, #tpu.memory_space<hbm>> -> memref<128xi32, #tpu.memory_space<hbm>>
      %dma_start3A_35 = arith.constant 0 : i32
      %dma_start3A_36 = tpu.memref_slice %arg6[%run_scoped3A_17, %dma_start3A_35] : memref<4x128xi32, #tpu.memory_space<vmem>> -> memref<1x128xi32, #tpu.memory_space<vmem>>
      %dma_start3A_37 = tpu.memref_squeeze %dma_start3A_36 : memref<1x128xi32, #tpu.memory_space<vmem>> -> memref<128xi32, #tpu.memory_space<vmem>>
      %dma_start3A_38 = tpu.memref_slice %arg3[%arg0, %run_scoped3A_16, %mul3A_15] : memref<2x4x2048xi32, #tpu.memory_space<hbm>> -> memref<1x1x128xi32, #tpu.memory_space<hbm>>
      %dma_start3A_39 = tpu.memref_squeeze %dma_start3A_38 : memref<1x1x128xi32, #tpu.memory_space<hbm>> -> memref<128xi32, #tpu.memory_space<hbm>>
      tpu.enqueue_dma source(%dma_start3A_39 : memref<128xi32, #tpu.memory_space<hbm>>) target(%dma_start3A_37 : memref<128xi32, #tpu.memory_space<vmem>>) target_semaphore(%run_scoped3A_30 : memref<!tpu.dma_semaphore, #tpu.memory_space<semaphore_mem>>)
      %dma_wait3A = arith.constant 0 : i32
      %dma_wait3A_40 = tpu.memref_slice %arg6[%run_scoped3A_17, %dma_wait3A] : memref<4x128xi32, #tpu.memory_space<vmem>> -> memref<1x128xi32, #tpu.memory_space<vmem>>
      %dma_wait3A_41 = tpu.memref_squeeze %dma_wait3A_40 : memref<1x128xi32, #tpu.memory_space<vmem>> -> memref<128xi32, #tpu.memory_space<vmem>>
      %dma_wait3A_42 = tpu.memref_slice %arg3[%arg0, %run_scoped3A_16, %mul3A_15] : memref<2x4x2048xi32, #tpu.memory_space<hbm>> -> memref<1x1x128xi32, #tpu.memory_space<hbm>>
      %dma_wait3A_43 = tpu.memref_squeeze %dma_wait3A_42 : memref<1x1x128xi32, #tpu.memory_space<hbm>> -> memref<128xi32, #tpu.memory_space<hbm>>
      %dma_wait3A_44 = arith.constant 0 : i32
      %dma_wait3A_45 = tpu.memref_slice %arg6[%run_scoped3A_17, %dma_wait3A_44] : memref<4x128xi32, #tpu.memory_space<vmem>> -> memref<1x128xi32, #tpu.memory_space<vmem>>
      %dma_wait3A_46 = tpu.memref_squeeze %dma_wait3A_45 : memref<1x128xi32, #tpu.memory_space<vmem>> -> memref<128xi32, #tpu.memory_space<vmem>>
      %dma_wait3A_47 = tpu.memref_slice %arg3[%arg0, %run_scoped3A_16, %mul3A_15] : memref<2x4x2048xi32, #tpu.memory_space<hbm>> -> memref<1x1x128xi32, #tpu.memory_space<hbm>>
      %dma_wait3A_48 = tpu.memref_squeeze %dma_wait3A_47 : memref<1x1x128xi32, #tpu.memory_space<hbm>> -> memref<128xi32, #tpu.memory_space<hbm>>
      tpu.wait_dma2 semaphore(%run_scoped3A_30 : memref<!tpu.dma_semaphore, #tpu.memory_space<semaphore_mem>>) src(%dma_wait3A_48 : memref<128xi32, #tpu.memory_space<hbm>>) dst(%dma_wait3A_46 : memref<128xi32, #tpu.memory_space<vmem>>)
      tpu.yield
    }) : () -> ()
    %mul3A_18 = arith.constant 128 : i32
    %mul3A_19 = arith.muli %arg1, %mul3A_18 : i32
    %run_scoped3A_20 = arith.constant 2 : i32
    "tpu.region"() ({
      %run_scoped3A_30 = tpu.sem_alloc : memref<!tpu.dma_semaphore, #tpu.memory_space<semaphore_mem>>
      %dma_start3A = arith.constant 0 : i32
      %dma_start3A_31 = tpu.memref_slice %arg2[%arg0, %run_scoped3A_20, %mul3A_19, %dma_start3A] : memref<2x4x2048x256xf32, #tpu.memory_space<hbm>> -> memref<1x1x128x256xf32, #tpu.memory_space<hbm>>
      %dma_start3A_32 = tpu.memref_squeeze %dma_start3A_31 : memref<1x1x128x256xf32, #tpu.memory_space<hbm>> -> memref<128x256xf32, #tpu.memory_space<hbm>>
      %dma_start3A_33 = arith.constant 0 : i32
      %dma_start3A_34 = tpu.memref_slice %arg2[%arg0, %run_scoped3A_20, %mul3A_19, %dma_start3A_33] : memref<2x4x2048x256xf32, #tpu.memory_space<hbm>> -> memref<1x1x128x256xf32, #tpu.memory_space<hbm>>
      %dma_start3A_35 = tpu.memref_squeeze %dma_start3A_34 : memref<1x1x128x256xf32, #tpu.memory_space<hbm>> -> memref<128x256xf32, #tpu.memory_space<hbm>>
      tpu.enqueue_dma source(%dma_start3A_35 : memref<128x256xf32, #tpu.memory_space<hbm>>) target(%arg5 : memref<128x256xf32, #tpu.memory_space<vmem>>) target_semaphore(%run_scoped3A_30 : memref<!tpu.dma_semaphore, #tpu.memory_space<semaphore_mem>>)
      %dma_wait3A = arith.constant 0 : i32
      %dma_wait3A_36 = tpu.memref_slice %arg2[%arg0, %run_scoped3A_20, %mul3A_19, %dma_wait3A] : memref<2x4x2048x256xf32, #tpu.memory_space<hbm>> -> memref<1x1x128x256xf32, #tpu.memory_space<hbm>>
      %dma_wait3A_37 = tpu.memref_squeeze %dma_wait3A_36 : memref<1x1x128x256xf32, #tpu.memory_space<hbm>> -> memref<128x256xf32, #tpu.memory_space<hbm>>
      %dma_wait3A_38 = arith.constant 0 : i32
      %dma_wait3A_39 = tpu.memref_slice %arg2[%arg0, %run_scoped3A_20, %mul3A_19, %dma_wait3A_38] : memref<2x4x2048x256xf32, #tpu.memory_space<hbm>> -> memref<1x1x128x256xf32, #tpu.memory_space<hbm>>
      %dma_wait3A_40 = tpu.memref_squeeze %dma_wait3A_39 : memref<1x1x128x256xf32, #tpu.memory_space<hbm>> -> memref<128x256xf32, #tpu.memory_space<hbm>>
      tpu.wait_dma2 semaphore(%run_scoped3A_30 : memref<!tpu.dma_semaphore, #tpu.memory_space<semaphore_mem>>) src(%dma_wait3A_40 : memref<128x256xf32, #tpu.memory_space<hbm>>) dst(%arg5 : memref<128x256xf32, #tpu.memory_space<vmem>>)
      tpu.yield
    }) : () -> ()
    %run_scoped3A_21 = arith.constant 2 : i32
    "tpu.region"() ({
      %run_scoped3A_30 = tpu.sem_alloc : memref<!tpu.dma_semaphore, #tpu.memory_space<semaphore_mem>>
      %dma_start3A = arith.constant 0 : i32
      %dma_start3A_31 = tpu.memref_slice %arg6[%run_scoped3A_21, %dma_start3A] : memref<4x128xi32, #tpu.memory_space<vmem>> -> memref<1x128xi32, #tpu.memory_space<vmem>>
      %dma_start3A_32 = tpu.memref_squeeze %dma_start3A_31 : memref<1x128xi32, #tpu.memory_space<vmem>> -> memref<128xi32, #tpu.memory_space<vmem>>
      %dma_start3A_33 = arith.constant 0 : i32
      %dma_start3A_34 = arith.constant 0 : i32
      %dma_start3A_35 = tpu.memref_slice %arg4[%dma_start3A_33, %dma_start3A_34] : memref<16384x256xf32, #tpu.memory_space<hbm>> -> memref<16384x256xf32, #tpu.memory_space<hbm>>
      tpu.enqueue_indirect_dma source(%arg5 : memref<128x256xf32, #tpu.memory_space<vmem>>) target(%dma_start3A_35 : memref<16384x256xf32, #tpu.memory_space<hbm>>) offsets(%dma_start3A_32 : memref<128xi32, #tpu.memory_space<vmem>>) semaphore(%run_scoped3A_30 : memref<!tpu.dma_semaphore, #tpu.memory_space<semaphore_mem>>)
      %dma_wait3A = arith.constant 0 : i32
      %dma_wait3A_36 = tpu.memref_slice %arg6[%run_scoped3A_21, %dma_wait3A] : memref<4x128xi32, #tpu.memory_space<vmem>> -> memref<1x128xi32, #tpu.memory_space<vmem>>
      %dma_wait3A_37 = tpu.memref_squeeze %dma_wait3A_36 : memref<1x128xi32, #tpu.memory_space<vmem>> -> memref<128xi32, #tpu.memory_space<vmem>>
      %dma_wait3A_38 = arith.constant 0 : i32
      %dma_wait3A_39 = arith.constant 0 : i32
      %dma_wait3A_40 = tpu.memref_slice %arg4[%dma_wait3A_38, %dma_wait3A_39] : memref<16384x256xf32, #tpu.memory_space<hbm>> -> memref<16384x256xf32, #tpu.memory_space<hbm>>
      tpu.wait_indirect_dma semaphore(%run_scoped3A_30 : memref<!tpu.dma_semaphore, #tpu.memory_space<semaphore_mem>>) src(%arg5 : memref<128x256xf32, #tpu.memory_space<vmem>>) dst(%dma_wait3A_40 : memref<16384x256xf32, #tpu.memory_space<hbm>>)
      tpu.yield
    }) : () -> ()
    %mul3A_22 = arith.constant 128 : i32
    %mul3A_23 = arith.muli %arg1, %mul3A_22 : i32
    %run_scoped3A_24 = arith.constant 3 : i32
    %run_scoped3A_25 = arith.constant 3 : i32
    "tpu.region"() ({
      %run_scoped3A_30 = tpu.sem_alloc : memref<!tpu.dma_semaphore, #tpu.memory_space<semaphore_mem>>
      %dma_start3A = arith.constant 0 : i32
      %dma_start3A_31 = tpu.memref_slice %arg6[%run_scoped3A_25, %dma_start3A] : memref<4x128xi32, #tpu.memory_space<vmem>> -> memref<1x128xi32, #tpu.memory_space<vmem>>
      %dma_start3A_32 = tpu.memref_squeeze %dma_start3A_31 : memref<1x128xi32, #tpu.memory_space<vmem>> -> memref<128xi32, #tpu.memory_space<vmem>>
      %dma_start3A_33 = tpu.memref_slice %arg3[%arg0, %run_scoped3A_24, %mul3A_23] : memref<2x4x2048xi32, #tpu.memory_space<hbm>> -> memref<1x1x128xi32, #tpu.memory_space<hbm>>
      %dma_start3A_34 = tpu.memref_squeeze %dma_start3A_33 : memref<1x1x128xi32, #tpu.memory_space<hbm>> -> memref<128xi32, #tpu.memory_space<hbm>>
      %dma_start3A_35 = arith.constant 0 : i32
      %dma_start3A_36 = tpu.memref_slice %arg6[%run_scoped3A_25, %dma_start3A_35] : memref<4x128xi32, #tpu.memory_space<vmem>> -> memref<1x128xi32, #tpu.memory_space<vmem>>
      %dma_start3A_37 = tpu.memref_squeeze %dma_start3A_36 : memref<1x128xi32, #tpu.memory_space<vmem>> -> memref<128xi32, #tpu.memory_space<vmem>>
      %dma_start3A_38 = tpu.memref_slice %arg3[%arg0, %run_scoped3A_24, %mul3A_23] : memref<2x4x2048xi32, #tpu.memory_space<hbm>> -> memref<1x1x128xi32, #tpu.memory_space<hbm>>
      %dma_start3A_39 = tpu.memref_squeeze %dma_start3A_38 : memref<1x1x128xi32, #tpu.memory_space<hbm>> -> memref<128xi32, #tpu.memory_space<hbm>>
      tpu.enqueue_dma source(%dma_start3A_39 : memref<128xi32, #tpu.memory_space<hbm>>) target(%dma_start3A_37 : memref<128xi32, #tpu.memory_space<vmem>>) target_semaphore(%run_scoped3A_30 : memref<!tpu.dma_semaphore, #tpu.memory_space<semaphore_mem>>)
      %dma_wait3A = arith.constant 0 : i32
      %dma_wait3A_40 = tpu.memref_slice %arg6[%run_scoped3A_25, %dma_wait3A] : memref<4x128xi32, #tpu.memory_space<vmem>> -> memref<1x128xi32, #tpu.memory_space<vmem>>
      %dma_wait3A_41 = tpu.memref_squeeze %dma_wait3A_40 : memref<1x128xi32, #tpu.memory_space<vmem>> -> memref<128xi32, #tpu.memory_space<vmem>>
      %dma_wait3A_42 = tpu.memref_slice %arg3[%arg0, %run_scoped3A_24, %mul3A_23] : memref<2x4x2048xi32, #tpu.memory_space<hbm>> -> memref<1x1x128xi32, #tpu.memory_space<hbm>>
      %dma_wait3A_43 = tpu.memref_squeeze %dma_wait3A_42 : memref<1x1x128xi32, #tpu.memory_space<hbm>> -> memref<128xi32, #tpu.memory_space<hbm>>
      %dma_wait3A_44 = arith.constant 0 : i32
      %dma_wait3A_45 = tpu.memref_slice %arg6[%run_scoped3A_25, %dma_wait3A_44] : memref<4x128xi32, #tpu.memory_space<vmem>> -> memref<1x128xi32, #tpu.memory_space<vmem>>
      %dma_wait3A_46 = tpu.memref_squeeze %dma_wait3A_45 : memref<1x128xi32, #tpu.memory_space<vmem>> -> memref<128xi32, #tpu.memory_space<vmem>>
      %dma_wait3A_47 = tpu.memref_slice %arg3[%arg0, %run_scoped3A_24, %mul3A_23] : memref<2x4x2048xi32, #tpu.memory_space<hbm>> -> memref<1x1x128xi32, #tpu.memory_space<hbm>>
      %dma_wait3A_48 = tpu.memref_squeeze %dma_wait3A_47 : memref<1x1x128xi32, #tpu.memory_space<hbm>> -> memref<128xi32, #tpu.memory_space<hbm>>
      tpu.wait_dma2 semaphore(%run_scoped3A_30 : memref<!tpu.dma_semaphore, #tpu.memory_space<semaphore_mem>>) src(%dma_wait3A_48 : memref<128xi32, #tpu.memory_space<hbm>>) dst(%dma_wait3A_46 : memref<128xi32, #tpu.memory_space<vmem>>)
      tpu.yield
    }) : () -> ()
    %mul3A_26 = arith.constant 128 : i32
    %mul3A_27 = arith.muli %arg1, %mul3A_26 : i32
    %run_scoped3A_28 = arith.constant 3 : i32
    "tpu.region"() ({
      %run_scoped3A_30 = tpu.sem_alloc : memref<!tpu.dma_semaphore, #tpu.memory_space<semaphore_mem>>
      %dma_start3A = arith.constant 0 : i32
      %dma_start3A_31 = tpu.memref_slice %arg2[%arg0, %run_scoped3A_28, %mul3A_27, %dma_start3A] : memref<2x4x2048x256xf32, #tpu.memory_space<hbm>> -> memref<1x1x128x256xf32, #tpu.memory_space<hbm>>
      %dma_start3A_32 = tpu.memref_squeeze %dma_start3A_31 : memref<1x1x128x256xf32, #tpu.memory_space<hbm>> -> memref<128x256xf32, #tpu.memory_space<hbm>>
      %dma_start3A_33 = arith.constant 0 : i32
      %dma_start3A_34 = tpu.memref_slice %arg2[%arg0, %run_scoped3A_28, %mul3A_27, %dma_start3A_33] : memref<2x4x2048x256xf32, #tpu.memory_space<hbm>> -> memref<1x1x128x256xf32, #tpu.memory_space<hbm>>
      %dma_start3A_35 = tpu.memref_squeeze %dma_start3A_34 : memref<1x1x128x256xf32, #tpu.memory_space<hbm>> -> memref<128x256xf32, #tpu.memory_space<hbm>>
      tpu.enqueue_dma source(%dma_start3A_35 : memref<128x256xf32, #tpu.memory_space<hbm>>) target(%arg5 : memref<128x256xf32, #tpu.memory_space<vmem>>) target_semaphore(%run_scoped3A_30 : memref<!tpu.dma_semaphore, #tpu.memory_space<semaphore_mem>>)
      %dma_wait3A = arith.constant 0 : i32
      %dma_wait3A_36 = tpu.memref_slice %arg2[%arg0, %run_scoped3A_28, %mul3A_27, %dma_wait3A] : memref<2x4x2048x256xf32, #tpu.memory_space<hbm>> -> memref<1x1x128x256xf32, #tpu.memory_space<hbm>>
      %dma_wait3A_37 = tpu.memref_squeeze %dma_wait3A_36 : memref<1x1x128x256xf32, #tpu.memory_space<hbm>> -> memref<128x256xf32, #tpu.memory_space<hbm>>
      %dma_wait3A_38 = arith.constant 0 : i32
      %dma_wait3A_39 = tpu.memref_slice %arg2[%arg0, %run_scoped3A_28, %mul3A_27, %dma_wait3A_38] : memref<2x4x2048x256xf32, #tpu.memory_space<hbm>> -> memref<1x1x128x256xf32, #tpu.memory_space<hbm>>
      %dma_wait3A_40 = tpu.memref_squeeze %dma_wait3A_39 : memref<1x1x128x256xf32, #tpu.memory_space<hbm>> -> memref<128x256xf32, #tpu.memory_space<hbm>>
      tpu.wait_dma2 semaphore(%run_scoped3A_30 : memref<!tpu.dma_semaphore, #tpu.memory_space<semaphore_mem>>) src(%dma_wait3A_40 : memref<128x256xf32, #tpu.memory_space<hbm>>) dst(%arg5 : memref<128x256xf32, #tpu.memory_space<vmem>>)
      tpu.yield
    }) : () -> ()
    %run_scoped3A_29 = arith.constant 3 : i32
    "tpu.region"() ({
      %run_scoped3A_30 = tpu.sem_alloc : memref<!tpu.dma_semaphore, #tpu.memory_space<semaphore_mem>>
      %dma_start3A = arith.constant 0 : i32
      %dma_start3A_31 = tpu.memref_slice %arg6[%run_scoped3A_29, %dma_start3A] : memref<4x128xi32, #tpu.memory_space<vmem>> -> memref<1x128xi32, #tpu.memory_space<vmem>>
      %dma_start3A_32 = tpu.memref_squeeze %dma_start3A_31 : memref<1x128xi32, #tpu.memory_space<vmem>> -> memref<128xi32, #tpu.memory_space<vmem>>
      %dma_start3A_33 = arith.constant 0 : i32
      %dma_start3A_34 = arith.constant 0 : i32
      %dma_start3A_35 = tpu.memref_slice %arg4[%dma_start3A_33, %dma_start3A_34] : memref<16384x256xf32, #tpu.memory_space<hbm>> -> memref<16384x256xf32, #tpu.memory_space<hbm>>
      tpu.enqueue_indirect_dma source(%arg5 : memref<128x256xf32, #tpu.memory_space<vmem>>) target(%dma_start3A_35 : memref<16384x256xf32, #tpu.memory_space<hbm>>) offsets(%dma_start3A_32 : memref<128xi32, #tpu.memory_space<vmem>>) semaphore(%run_scoped3A_30 : memref<!tpu.dma_semaphore, #tpu.memory_space<semaphore_mem>>)
      %dma_wait3A = arith.constant 0 : i32
      %dma_wait3A_36 = tpu.memref_slice %arg6[%run_scoped3A_29, %dma_wait3A] : memref<4x128xi32, #tpu.memory_space<vmem>> -> memref<1x128xi32, #tpu.memory_space<vmem>>
      %dma_wait3A_37 = tpu.memref_squeeze %dma_wait3A_36 : memref<1x128xi32, #tpu.memory_space<vmem>> -> memref<128xi32, #tpu.memory_space<vmem>>
      %dma_wait3A_38 = arith.constant 0 : i32
      %dma_wait3A_39 = arith.constant 0 : i32
      %dma_wait3A_40 = tpu.memref_slice %arg4[%dma_wait3A_38, %dma_wait3A_39] : memref<16384x256xf32, #tpu.memory_space<hbm>> -> memref<16384x256xf32, #tpu.memory_space<hbm>>
      tpu.wait_indirect_dma semaphore(%run_scoped3A_30 : memref<!tpu.dma_semaphore, #tpu.memory_space<semaphore_mem>>) src(%arg5 : memref<128x256xf32, #tpu.memory_space<vmem>>) dst(%dma_wait3A_40 : memref<16384x256xf32, #tpu.memory_space<hbm>>)
      tpu.yield
    }) : () -> ()
    return
  }
}

module attributes {stable_mosaic.version = 14 : i64} {
  func.func @_stage_a_body(%arg0: i32, %arg1: i32, %arg2: memref<1x1024x1024xf32, #tpu.memory_space<vmem>>, %arg3: memref<1024x512xf32, #tpu.memory_space<vmem>>, %arg4: memref<1x512xf32, #tpu.memory_space<vmem>>, %arg5: memref<512x64xf32, #tpu.memory_space<vmem>>, %arg6: memref<4x512x512xf32, #tpu.memory_space<vmem>>, %arg7: memref<1x4x1024x256xf32, #tpu.memory_space<vmem>>, %arg8: memref<1x1024x64xf32, #tpu.memory_space<vmem>>) attributes {dimension_semantics = [#tpu.dimension_semantics<arbitrary>, #tpu.dimension_semantics<arbitrary>], iteration_bounds = array<i64: 2, 2>, scalar_prefetch = 0 : i64, scratch_operands = 0 : i64, tpu.core_type = #tpu.core_type<tc>, window_params = [{transform_indices = @transform_0, window_bounds = array<i64: 1, 1024, 1024>}, {pipeline_mode = #tpu.pipeline_mode<synchronous>, transform_indices = @transform_1, window_bounds = array<i64: 1024, 512>}, {pipeline_mode = #tpu.pipeline_mode<synchronous>, transform_indices = @transform_2, window_bounds = array<i64: 1, 512>}, {pipeline_mode = #tpu.pipeline_mode<synchronous>, transform_indices = @transform_3, window_bounds = array<i64: 512, 64>}, {pipeline_mode = #tpu.pipeline_mode<synchronous>, transform_indices = @transform_4, window_bounds = array<i64: 4, 512, 512>}, {transform_indices = @transform_5, window_bounds = array<i64: 1, 4, 1024, 256>}, {transform_indices = @transform_6, window_bounds = array<i64: 1, 1024, 64>}]} {
    %get3A = arith.constant 0 : index
    %get3A_0 = arith.constant 0 : index
    %get3A_1 = arith.constant 0 : index
    %get3A_2 = vector.load %arg2[%get3A, %get3A_0, %get3A_1] : memref<1x1024x1024xf32, #tpu.memory_space<vmem>>, vector<1x1024x1024xf32>
    %get3A_3 = vector.shape_cast %get3A_2 : vector<1x1024x1024xf32> to vector<1024x1024xf32>
    %get3A_4 = arith.constant 0 : index
    %get3A_5 = arith.constant 0 : index
    %get3A_6 = vector.load %arg3[%get3A_4, %get3A_5] : memref<1024x512xf32, #tpu.memory_space<vmem>>, vector<1024x512xf32>
    %dot_general3A = arith.constant dense<0.000000e+00> : vector<1024x512xf32>
    %dot_general3A_7 = tpu.matmul %get3A_3, %get3A_6, %dot_general3A {dimension_numbers = #tpu.dot_dimension_numbers<[1], [0], [0], [1], [0, 0, 1, 1], [], []>, transpose_lhs_hint = false} : vector<1024x1024xf32>, vector<1024x512xf32>, vector<1024x512xf32> -> vector<1024x512xf32>
    %get3A_8 = arith.constant 0 : index
    %get3A_9 = arith.constant 0 : index
    %get3A_10 = vector.load %arg4[%get3A_8, %get3A_9] : memref<1x512xf32, #tpu.memory_space<vmem>>, vector<1x512xf32>
    %add3A = vector.broadcast %get3A_10 : vector<1x512xf32> to vector<1024x512xf32>
    %add3A_11 = arith.addf %dot_general3A_7, %add3A : vector<1024x512xf32>
    %max3A = arith.constant 0.000000e+00 : f32
    %max3A_12 = vector.broadcast %max3A : f32 to vector<1024x512xf32>
    %max3A_13 = arith.maximumf %add3A_11, %max3A_12 : vector<1024x512xf32>
    %get3A_14 = arith.constant 0 : index
    %get3A_15 = arith.constant 0 : index
    %get3A_16 = vector.load %arg5[%get3A_14, %get3A_15] : memref<512x64xf32, #tpu.memory_space<vmem>>, vector<512x64xf32>
    %dot_general3A_17 = arith.constant dense<0.000000e+00> : vector<1024x64xf32>
    %dot_general3A_18 = tpu.matmul %max3A_13, %get3A_16, %dot_general3A_17 {dimension_numbers = #tpu.dot_dimension_numbers<[1], [0], [0], [1], [0, 0, 1, 1], [], []>, transpose_lhs_hint = false} : vector<1024x512xf32>, vector<512x64xf32>, vector<1024x64xf32> -> vector<1024x64xf32>
    %swap3A = arith.constant 0 : index
    %swap3A_19 = arith.constant 0 : index
    %swap3A_20 = arith.constant 0 : index
    %swap3A_21 = vector.load %arg8[%swap3A, %swap3A_19, %swap3A_20] : memref<1x1024x64xf32, #tpu.memory_space<vmem>>, vector<1x1024x64xf32>
    %swap3A_22 = vector.shape_cast %swap3A_21 : vector<1x1024x64xf32> to vector<1024x64xf32>
    %swap3A_23 = vector.shape_cast %dot_general3A_18 : vector<1024x64xf32> to vector<1x1024x64xf32>
    tpu.vector_store %arg8[%swap3A, %swap3A_19, %swap3A_20], %swap3A_23 {strides = array<i32>} : memref<1x1024x64xf32, #tpu.memory_space<vmem>>, vector<1x1024x64xf32>,
    %get3A_24 = arith.constant 0 : index
    %get3A_25 = arith.constant 0 : index
    %get3A_26 = arith.constant 0 : index
    %get3A_27 = vector.load %arg6[%get3A_24, %get3A_25, %get3A_26] : memref<4x512x512xf32, #tpu.memory_space<vmem>>, vector<1x512x512xf32>
    %get3A_28 = vector.shape_cast %get3A_27 : vector<1x512x512xf32> to vector<512x512xf32>
    %dot_general3A_29 = arith.constant dense<0.000000e+00> : vector<1024x512xf32>
    %dot_general3A_30 = tpu.matmul %max3A_13, %get3A_28, %dot_general3A_29 {dimension_numbers = #tpu.dot_dimension_numbers<[1], [0], [0], [1], [0, 0, 1, 1], [], []>, transpose_lhs_hint = false} : vector<1024x512xf32>, vector<512x512xf32>, vector<1024x512xf32> -> vector<1024x512xf32>
    %convert_element_type3A = arith.truncf %dot_general3A_30 : vector<1024x512xf32> to vector<1024x512xbf16>
    %convert_element_type3A_31 = arith.extf %convert_element_type3A : vector<1024x512xbf16> to vector<1024x512xf32>
    %slice3A = vector.extract_strided_slice %convert_element_type3A_31 {offsets = [0, 0], sizes = [1024, 256], strides = [1, 1]} : vector<1024x512xf32> to vector<1024x256xf32>
    %bitcast_convert_type3A = tpu.bitcast %slice3A : vector<1024x256xf32> -> vector<1024x256xi32>
    %shift_right_logical3A = arith.constant 16 : i32
    %shift_right_logical3A_32 = vector.broadcast %shift_right_logical3A : i32 to vector<1024x256xi32>
    %shift_right_logical3A_33 = arith.shrui %bitcast_convert_type3A, %shift_right_logical3A_32 : vector<1024x256xi32>
    %slice3A_34 = vector.extract_strided_slice %convert_element_type3A_31 {offsets = [0, 256], sizes = [1024, 256], strides = [1, 1]} : vector<1024x512xf32> to vector<1024x256xf32>
    %bitcast_convert_type3A_35 = tpu.bitcast %slice3A_34 : vector<1024x256xf32> -> vector<1024x256xi32>
    %and3A = arith.constant -65536 : i32
    %and3A_36 = vector.broadcast %and3A : i32 to vector<1024x256xi32>
    %and3A_37 = arith.andi %bitcast_convert_type3A_35, %and3A_36 : vector<1024x256xi32>
    %or3A = arith.ori %shift_right_logical3A_33, %and3A_37 : vector<1024x256xi32>
    %bitcast_convert_type3A_38 = tpu.bitcast %or3A : vector<1024x256xi32> -> vector<1024x256xf32>
    %swap3A_39 = arith.constant 0 : index
    %swap3A_40 = arith.constant 0 : index
    %swap3A_41 = arith.constant 0 : index
    %swap3A_42 = arith.constant 0 : index
    %swap3A_43 = vector.load %arg7[%swap3A_39, %swap3A_40, %swap3A_41, %swap3A_42] : memref<1x4x1024x256xf32, #tpu.memory_space<vmem>>, vector<1x1x1024x256xf32>
    %swap3A_44 = vector.shape_cast %swap3A_43 : vector<1x1x1024x256xf32> to vector<1024x256xf32>
    %swap3A_45 = vector.shape_cast %bitcast_convert_type3A_38 : vector<1024x256xf32> to vector<1x1x1024x256xf32>
    tpu.vector_store %arg7[%swap3A_39, %swap3A_40, %swap3A_41, %swap3A_42], %swap3A_45 {strides = array<i32>} : memref<1x4x1024x256xf32, #tpu.memory_space<vmem>>, vector<1x1x1024x256xf32>,
    %get3A_46 = arith.constant 1 : index
    %get3A_47 = arith.constant 0 : index
    %get3A_48 = arith.constant 0 : index
    %get3A_49 = vector.load %arg6[%get3A_46, %get3A_47, %get3A_48] : memref<4x512x512xf32, #tpu.memory_space<vmem>>, vector<1x512x512xf32>
    %get3A_50 = vector.shape_cast %get3A_49 : vector<1x512x512xf32> to vector<512x512xf32>
    %dot_general3A_51 = arith.constant dense<0.000000e+00> : vector<1024x512xf32>
    %dot_general3A_52 = tpu.matmul %max3A_13, %get3A_50, %dot_general3A_51 {dimension_numbers = #tpu.dot_dimension_numbers<[1], [0], [0], [1], [0, 0, 1, 1], [], []>, transpose_lhs_hint = false} : vector<1024x512xf32>, vector<512x512xf32>, vector<1024x512xf32> -> vector<1024x512xf32>
    %convert_element_type3A_53 = arith.truncf %dot_general3A_52 : vector<1024x512xf32> to vector<1024x512xbf16>
    %convert_element_type3A_54 = arith.extf %convert_element_type3A_53 : vector<1024x512xbf16> to vector<1024x512xf32>
    %slice3A_55 = vector.extract_strided_slice %convert_element_type3A_54 {offsets = [0, 0], sizes = [1024, 256], strides = [1, 1]} : vector<1024x512xf32> to vector<1024x256xf32>
    %bitcast_convert_type3A_56 = tpu.bitcast %slice3A_55 : vector<1024x256xf32> -> vector<1024x256xi32>
    %shift_right_logical3A_57 = arith.constant 16 : i32
    %shift_right_logical3A_58 = vector.broadcast %shift_right_logical3A_57 : i32 to vector<1024x256xi32>
    %shift_right_logical3A_59 = arith.shrui %bitcast_convert_type3A_56, %shift_right_logical3A_58 : vector<1024x256xi32>
    %slice3A_60 = vector.extract_strided_slice %convert_element_type3A_54 {offsets = [0, 256], sizes = [1024, 256], strides = [1, 1]} : vector<1024x512xf32> to vector<1024x256xf32>
    %bitcast_convert_type3A_61 = tpu.bitcast %slice3A_60 : vector<1024x256xf32> -> vector<1024x256xi32>
    %and3A_62 = arith.constant -65536 : i32
    %and3A_63 = vector.broadcast %and3A_62 : i32 to vector<1024x256xi32>
    %and3A_64 = arith.andi %bitcast_convert_type3A_61, %and3A_63 : vector<1024x256xi32>
    %or3A_65 = arith.ori %shift_right_logical3A_59, %and3A_64 : vector<1024x256xi32>
    %bitcast_convert_type3A_66 = tpu.bitcast %or3A_65 : vector<1024x256xi32> -> vector<1024x256xf32>
    %swap3A_67 = arith.constant 0 : index
    %swap3A_68 = arith.constant 1 : index
    %swap3A_69 = arith.constant 0 : index
    %swap3A_70 = arith.constant 0 : index
    %swap3A_71 = vector.load %arg7[%swap3A_67, %swap3A_68, %swap3A_69, %swap3A_70] : memref<1x4x1024x256xf32, #tpu.memory_space<vmem>>, vector<1x1x1024x256xf32>
    %swap3A_72 = vector.shape_cast %swap3A_71 : vector<1x1x1024x256xf32> to vector<1024x256xf32>
    %swap3A_73 = vector.shape_cast %bitcast_convert_type3A_66 : vector<1024x256xf32> to vector<1x1x1024x256xf32>
    tpu.vector_store %arg7[%swap3A_67, %swap3A_68, %swap3A_69, %swap3A_70], %swap3A_73 {strides = array<i32>} : memref<1x4x1024x256xf32, #tpu.memory_space<vmem>>, vector<1x1x1024x256xf32>,
    %get3A_74 = arith.constant 2 : index
    %get3A_75 = arith.constant 0 : index
    %get3A_76 = arith.constant 0 : index
    %get3A_77 = vector.load %arg6[%get3A_74, %get3A_75, %get3A_76] : memref<4x512x512xf32, #tpu.memory_space<vmem>>, vector<1x512x512xf32>
    %get3A_78 = vector.shape_cast %get3A_77 : vector<1x512x512xf32> to vector<512x512xf32>
    %dot_general3A_79 = arith.constant dense<0.000000e+00> : vector<1024x512xf32>
    %dot_general3A_80 = tpu.matmul %max3A_13, %get3A_78, %dot_general3A_79 {dimension_numbers = #tpu.dot_dimension_numbers<[1], [0], [0], [1], [0, 0, 1, 1], [], []>, transpose_lhs_hint = false} : vector<1024x512xf32>, vector<512x512xf32>, vector<1024x512xf32> -> vector<1024x512xf32>
    %convert_element_type3A_81 = arith.truncf %dot_general3A_80 : vector<1024x512xf32> to vector<1024x512xbf16>
    %convert_element_type3A_82 = arith.extf %convert_element_type3A_81 : vector<1024x512xbf16> to vector<1024x512xf32>
    %slice3A_83 = vector.extract_strided_slice %convert_element_type3A_82 {offsets = [0, 0], sizes = [1024, 256], strides = [1, 1]} : vector<1024x512xf32> to vector<1024x256xf32>
    %bitcast_convert_type3A_84 = tpu.bitcast %slice3A_83 : vector<1024x256xf32> -> vector<1024x256xi32>
    %shift_right_logical3A_85 = arith.constant 16 : i32
    %shift_right_logical3A_86 = vector.broadcast %shift_right_logical3A_85 : i32 to vector<1024x256xi32>
    %shift_right_logical3A_87 = arith.shrui %bitcast_convert_type3A_84, %shift_right_logical3A_86 : vector<1024x256xi32>
    %slice3A_88 = vector.extract_strided_slice %convert_element_type3A_82 {offsets = [0, 256], sizes = [1024, 256], strides = [1, 1]} : vector<1024x512xf32> to vector<1024x256xf32>
    %bitcast_convert_type3A_89 = tpu.bitcast %slice3A_88 : vector<1024x256xf32> -> vector<1024x256xi32>
    %and3A_90 = arith.constant -65536 : i32
    %and3A_91 = vector.broadcast %and3A_90 : i32 to vector<1024x256xi32>
    %and3A_92 = arith.andi %bitcast_convert_type3A_89, %and3A_91 : vector<1024x256xi32>
    %or3A_93 = arith.ori %shift_right_logical3A_87, %and3A_92 : vector<1024x256xi32>
    %bitcast_convert_type3A_94 = tpu.bitcast %or3A_93 : vector<1024x256xi32> -> vector<1024x256xf32>
    %swap3A_95 = arith.constant 0 : index
    %swap3A_96 = arith.constant 2 : index
    %swap3A_97 = arith.constant 0 : index
    %swap3A_98 = arith.constant 0 : index
    %swap3A_99 = vector.load %arg7[%swap3A_95, %swap3A_96, %swap3A_97, %swap3A_98] : memref<1x4x1024x256xf32, #tpu.memory_space<vmem>>, vector<1x1x1024x256xf32>
    %swap3A_100 = vector.shape_cast %swap3A_99 : vector<1x1x1024x256xf32> to vector<1024x256xf32>
    %swap3A_101 = vector.shape_cast %bitcast_convert_type3A_94 : vector<1024x256xf32> to vector<1x1x1024x256xf32>
    tpu.vector_store %arg7[%swap3A_95, %swap3A_96, %swap3A_97, %swap3A_98], %swap3A_101 {strides = array<i32>} : memref<1x4x1024x256xf32, #tpu.memory_space<vmem>>, vector<1x1x1024x256xf32>,
    %get3A_102 = arith.constant 3 : index
    %get3A_103 = arith.constant 0 : index
    %get3A_104 = arith.constant 0 : index
    %get3A_105 = vector.load %arg6[%get3A_102, %get3A_103, %get3A_104] : memref<4x512x512xf32, #tpu.memory_space<vmem>>, vector<1x512x512xf32>
    %get3A_106 = vector.shape_cast %get3A_105 : vector<1x512x512xf32> to vector<512x512xf32>
    %dot_general3A_107 = arith.constant dense<0.000000e+00> : vector<1024x512xf32>
    %dot_general3A_108 = tpu.matmul %max3A_13, %get3A_106, %dot_general3A_107 {dimension_numbers = #tpu.dot_dimension_numbers<[1], [0], [0], [1], [0, 0, 1, 1], [], []>, transpose_lhs_hint = false} : vector<1024x512xf32>, vector<512x512xf32>, vector<1024x512xf32> -> vector<1024x512xf32>
    %convert_element_type3A_109 = arith.truncf %dot_general3A_108 : vector<1024x512xf32> to vector<1024x512xbf16>
    %convert_element_type3A_110 = arith.extf %convert_element_type3A_109 : vector<1024x512xbf16> to vector<1024x512xf32>
    %slice3A_111 = vector.extract_strided_slice %convert_element_type3A_110 {offsets = [0, 0], sizes = [1024, 256], strides = [1, 1]} : vector<1024x512xf32> to vector<1024x256xf32>
    %bitcast_convert_type3A_112 = tpu.bitcast %slice3A_111 : vector<1024x256xf32> -> vector<1024x256xi32>
    %shift_right_logical3A_113 = arith.constant 16 : i32
    %shift_right_logical3A_114 = vector.broadcast %shift_right_logical3A_113 : i32 to vector<1024x256xi32>
    %shift_right_logical3A_115 = arith.shrui %bitcast_convert_type3A_112, %shift_right_logical3A_114 : vector<1024x256xi32>
    %slice3A_116 = vector.extract_strided_slice %convert_element_type3A_110 {offsets = [0, 256], sizes = [1024, 256], strides = [1, 1]} : vector<1024x512xf32> to vector<1024x256xf32>
    %bitcast_convert_type3A_117 = tpu.bitcast %slice3A_116 : vector<1024x256xf32> -> vector<1024x256xi32>
    %and3A_118 = arith.constant -65536 : i32
    %and3A_119 = vector.broadcast %and3A_118 : i32 to vector<1024x256xi32>
    %and3A_120 = arith.andi %bitcast_convert_type3A_117, %and3A_119 : vector<1024x256xi32>
    %or3A_121 = arith.ori %shift_right_logical3A_115, %and3A_120 : vector<1024x256xi32>
    %bitcast_convert_type3A_122 = tpu.bitcast %or3A_121 : vector<1024x256xi32> -> vector<1024x256xf32>
    %swap3A_123 = arith.constant 0 : index
    %swap3A_124 = arith.constant 3 : index
    %swap3A_125 = arith.constant 0 : index
    %swap3A_126 = arith.constant 0 : index
    %swap3A_127 = vector.load %arg7[%swap3A_123, %swap3A_124, %swap3A_125, %swap3A_126] : memref<1x4x1024x256xf32, #tpu.memory_space<vmem>>, vector<1x1x1024x256xf32>
    %swap3A_128 = vector.shape_cast %swap3A_127 : vector<1x1x1024x256xf32> to vector<1024x256xf32>
    %swap3A_129 = vector.shape_cast %bitcast_convert_type3A_122 : vector<1024x256xf32> to vector<1x1x1024x256xf32>
    tpu.vector_store %arg7[%swap3A_123, %swap3A_124, %swap3A_125, %swap3A_126], %swap3A_129 {strides = array<i32>} : memref<1x4x1024x256xf32, #tpu.memory_space<vmem>>, vector<1x1x1024x256xf32>,
    return
  }
  func.func @transform_0(%arg0: i32, %arg1: i32) -> (i32, i32, i32) {
    %c0_i32 = arith.constant 0 : i32
    %c0_i32_0 = arith.constant 0 : i32
    return %arg0, %arg1, %c0_i32 : i32, i32, i32
  }
  func.func @transform_1(%arg0: i32, %arg1: i32) -> (i32, i32) {
    %c0_i32 = arith.constant 0 : i32
    %c0_i32_0 = arith.constant 0 : i32
    %c0_i32_1 = arith.constant 0 : i32
    return %c0_i32, %c0_i32_0 : i32, i32
  }
  func.func @transform_2(%arg0: i32, %arg1: i32) -> (i32, i32) {
    %c0_i32 = arith.constant 0 : i32
    %c0_i32_0 = arith.constant 0 : i32
    %c0_i32_1 = arith.constant 0 : i32
    return %c0_i32, %c0_i32_0 : i32, i32
  }
  func.func @transform_3(%arg0: i32, %arg1: i32) -> (i32, i32) {
    %c0_i32 = arith.constant 0 : i32
    %c0_i32_0 = arith.constant 0 : i32
    %c0_i32_1 = arith.constant 0 : i32
    return %c0_i32, %c0_i32_0 : i32, i32
  }
  func.func @transform_4(%arg0: i32, %arg1: i32) -> (i32, i32, i32) {
    %c0_i32 = arith.constant 0 : i32
    %c0_i32_0 = arith.constant 0 : i32
    %c0_i32_1 = arith.constant 0 : i32
    %c0_i32_2 = arith.constant 0 : i32
    return %c0_i32, %c0_i32_0, %c0_i32_1 : i32, i32, i32
  }
  func.func @transform_5(%arg0: i32, %arg1: i32) -> (i32, i32, i32, i32) {
    %c0_i32 = arith.constant 0 : i32
    %c0_i32_0 = arith.constant 0 : i32
    %c0_i32_1 = arith.constant 0 : i32
    return %arg0, %c0_i32, %arg1, %c0_i32_0 : i32, i32, i32, i32
  }
  func.func @transform_6(%arg0: i32, %arg1: i32) -> (i32, i32, i32) {
    %c0_i32 = arith.constant 0 : i32
    %c0_i32_0 = arith.constant 0 : i32
    return %arg0, %arg1, %c0_i32 : i32, i32, i32
  }
}

module attributes {stable_mosaic.version = 14 : i64} {
  func.func @_stage_b1_body(%arg0: i32, %arg1: memref<1x2048x64xf32, #tpu.memory_space<vmem>>, %arg2: memref<1x4x2048x1xf32, #tpu.memory_space<vmem>>) attributes {dimension_semantics = [#tpu.dimension_semantics<arbitrary>], iteration_bounds = array<i64: 2>, scalar_prefetch = 0 : i64, scratch_operands = 0 : i64, tpu.core_type = #tpu.core_type<tc>, window_params = [{transform_indices = @transform_0, window_bounds = array<i64: 1, 2048, 64>}, {transform_indices = @transform_1, window_bounds = array<i64: 1, 4, 2048, 1>}]} {
    %get3A = arith.constant 0 : index
    %get3A_0 = arith.constant 0 : index
    %get3A_1 = arith.constant 0 : index
    %get3A_2 = vector.load %arg1[%get3A, %get3A_0, %get3A_1] : memref<1x2048x64xf32, #tpu.memory_space<vmem>>, vector<1x2048x64xf32>
    %get3A_3 = vector.shape_cast %get3A_2 : vector<1x2048x64xf32> to vector<2048x64xf32>
    %reduce_sum3A = arith.constant dense<0.000000e+00> : vector<64xf32>
    %reduce_sum3A_4 = vector.multi_reduction <add>, %get3A_3, %reduce_sum3A [0] : vector<2048x64xf32> to vector<64xf32>
    %broadcast_in_dim3A = vector.shape_cast %reduce_sum3A_4 : vector<64xf32> to vector<1x64xf32>
    %div3A = arith.constant 2.048000e+03 : f32
    %div3A_5 = vector.broadcast %div3A : f32 to vector<1x64xf32>
    %div3A_6 = arith.divf %broadcast_in_dim3A, %div3A_5 : vector<1x64xf32>
    %mul3A = arith.mulf %get3A_3, %get3A_3 : vector<2048x64xf32>
    %reduce_sum3A_7 = arith.constant dense<0.000000e+00> : vector<64xf32>
    %reduce_sum3A_8 = vector.multi_reduction <add>, %mul3A, %reduce_sum3A_7 [0] : vector<2048x64xf32> to vector<64xf32>
    %broadcast_in_dim3A_9 = vector.shape_cast %reduce_sum3A_8 : vector<64xf32> to vector<1x64xf32>
    %div3A_10 = arith.constant 2.048000e+03 : f32
    %div3A_11 = vector.broadcast %div3A_10 : f32 to vector<1x64xf32>
    %div3A_12 = arith.divf %broadcast_in_dim3A_9, %div3A_11 : vector<1x64xf32>
    %mul3A_13 = arith.mulf %div3A_6, %div3A_6 : vector<1x64xf32>
    %sub3A = arith.subf %div3A_12, %mul3A_13 : vector<1x64xf32>
    %iota3A = tpu.iota {dimensions = array<i32: 1>} : vector<1x64xi32>
    %reduce_max3A = vector.shape_cast %sub3A : vector<1x64xf32> to vector<1x1x64xf32>
    %reduce_max3A_14 = arith.constant dense<0xFF800000> : vector<1xf32>
    %reduce_max3A_15 = vector.multi_reduction <maximumf>, %reduce_max3A, %reduce_max3A_14 [1, 2] : vector<1x1x64xf32> to vector<1xf32>
    %reduce_max3A_16 = vector.shape_cast %reduce_max3A_15 : vector<1xf32> to vector<1x1x1xf32>
    %reduce_max3A_17 = vector.extract %reduce_max3A_16[0, 0, 0] : f32 from vector<1x1x1xf32>
    %eq3A = vector.broadcast %reduce_max3A_17 : f32 to vector<1x64xf32>
    %eq3A_18 = arith.cmpf oeq, %sub3A, %eq3A : vector<1x64xf32>
    %jit3A = arith.constant 64 : i32
    %broadcast_in_dim3A_19 = vector.broadcast %jit3A : i32 to vector<1x64xi32>
    %select_n3A = arith.select %eq3A_18, %iota3A, %broadcast_in_dim3A_19 : vector<1x64xi1>, vector<1x64xi32>
    %reduce_min3A = vector.shape_cast %select_n3A : vector<1x64xi32> to vector<1x1x64xi32>
    %reduce_min3A_20 = arith.constant dense<2147483647> : vector<1xi32>
    %reduce_min3A_21 = vector.multi_reduction <minsi>, %reduce_min3A, %reduce_min3A_20 [1, 2] : vector<1x1x64xi32> to vector<1xi32>
    %reduce_min3A_22 = vector.shape_cast %reduce_min3A_21 : vector<1xi32> to vector<1x1x1xi32>
    %reduce_min3A_23 = vector.extract %reduce_min3A_22[0, 0, 0] : i32 from vector<1x1x1xi32>
    %eq3A_24 = vector.broadcast %reduce_min3A_23 : i32 to vector<1x64xi32>
    %eq3A_25 = arith.cmpi eq, %iota3A, %eq3A_24 : vector<1x64xi32>
    %broadcast_in_dim3A_26 = vector.shape_cast %eq3A_25 : vector<1x64xi1> to vector<1x64xi1>
    %broadcast_in_dim3A_27 = vector.broadcast %broadcast_in_dim3A_26 : vector<1x64xi1> to vector<2048x64xi1>
    %jit3A_28 = arith.constant 0.000000e+00 : f32
    %broadcast_in_dim3A_29 = vector.broadcast %jit3A_28 : f32 to vector<2048x64xf32>
    %select_n3A_30 = arith.select %broadcast_in_dim3A_27, %get3A_3, %broadcast_in_dim3A_29 : vector<2048x64xi1>, vector<2048x64xf32>
    %reduce_sum3A_31 = arith.constant dense<0.000000e+00> : vector<2048xf32>
    %reduce_sum3A_32 = vector.multi_reduction <add>, %select_n3A_30, %reduce_sum3A_31 [1] : vector<2048x64xf32> to vector<2048xf32>
    %broadcast_in_dim3A_33 = vector.shape_cast %reduce_sum3A_32 : vector<2048xf32> to vector<2048x1xf32>
    %swap3A = arith.constant 0 : index
    %swap3A_34 = arith.constant 0 : index
    %swap3A_35 = arith.constant 0 : index
    %swap3A_36 = arith.constant 0 : index
    %swap3A_37 = vector.load %arg2[%swap3A, %swap3A_34, %swap3A_35, %swap3A_36] : memref<1x4x2048x1xf32, #tpu.memory_space<vmem>>, vector<1x1x2048x1xf32>
    %swap3A_38 = vector.shape_cast %swap3A_37 : vector<1x1x2048x1xf32> to vector<2048x1xf32>
    %swap3A_39 = vector.shape_cast %broadcast_in_dim3A_33 : vector<2048x1xf32> to vector<1x1x2048x1xf32>
    tpu.vector_store %arg2[%swap3A, %swap3A_34, %swap3A_35, %swap3A_36], %swap3A_39 {strides = array<i32>} : memref<1x4x2048x1xf32, #tpu.memory_space<vmem>>, vector<1x1x2048x1xf32>,
    %jit3A_40 = arith.constant 0xFF800000 : f32
    %broadcast_in_dim3A_41 = vector.broadcast %jit3A_40 : f32 to vector<1x64xf32>
    %select_n3A_42 = arith.select %eq3A_25, %broadcast_in_dim3A_41, %sub3A : vector<1x64xi1>, vector<1x64xf32>
    %reduce_max3A_43 = vector.shape_cast %select_n3A_42 : vector<1x64xf32> to vector<1x1x64xf32>
    %reduce_max3A_44 = arith.constant dense<0xFF800000> : vector<1xf32>
    %reduce_max3A_45 = vector.multi_reduction <maximumf>, %reduce_max3A_43, %reduce_max3A_44 [1, 2] : vector<1x1x64xf32> to vector<1xf32>
    %reduce_max3A_46 = vector.shape_cast %reduce_max3A_45 : vector<1xf32> to vector<1x1x1xf32>
    %reduce_max3A_47 = vector.extract %reduce_max3A_46[0, 0, 0] : f32 from vector<1x1x1xf32>
    %eq3A_48 = vector.broadcast %reduce_max3A_47 : f32 to vector<1x64xf32>
    %eq3A_49 = arith.cmpf oeq, %select_n3A_42, %eq3A_48 : vector<1x64xf32>
    %jit3A_50 = arith.constant 64 : i32
    %broadcast_in_dim3A_51 = vector.broadcast %jit3A_50 : i32 to vector<1x64xi32>
    %select_n3A_52 = arith.select %eq3A_49, %iota3A, %broadcast_in_dim3A_51 : vector<1x64xi1>, vector<1x64xi32>
    %reduce_min3A_53 = vector.shape_cast %select_n3A_52 : vector<1x64xi32> to vector<1x1x64xi32>
    %reduce_min3A_54 = arith.constant dense<2147483647> : vector<1xi32>
    %reduce_min3A_55 = vector.multi_reduction <minsi>, %reduce_min3A_53, %reduce_min3A_54 [1, 2] : vector<1x1x64xi32> to vector<1xi32>
    %reduce_min3A_56 = vector.shape_cast %reduce_min3A_55 : vector<1xi32> to vector<1x1x1xi32>
    %reduce_min3A_57 = vector.extract %reduce_min3A_56[0, 0, 0] : i32 from vector<1x1x1xi32>
    %eq3A_58 = vector.broadcast %reduce_min3A_57 : i32 to vector<1x64xi32>
    %eq3A_59 = arith.cmpi eq, %iota3A, %eq3A_58 : vector<1x64xi32>
    %broadcast_in_dim3A_60 = vector.shape_cast %eq3A_59 : vector<1x64xi1> to vector<1x64xi1>
    %broadcast_in_dim3A_61 = vector.broadcast %broadcast_in_dim3A_60 : vector<1x64xi1> to vector<2048x64xi1>
    %jit3A_62 = arith.constant 0.000000e+00 : f32
    %broadcast_in_dim3A_63 = vector.broadcast %jit3A_62 : f32 to vector<2048x64xf32>
    %select_n3A_64 = arith.select %broadcast_in_dim3A_61, %get3A_3, %broadcast_in_dim3A_63 : vector<2048x64xi1>, vector<2048x64xf32>
    %reduce_sum3A_65 = arith.constant dense<0.000000e+00> : vector<2048xf32>
    %reduce_sum3A_66 = vector.multi_reduction <add>, %select_n3A_64, %reduce_sum3A_65 [1] : vector<2048x64xf32> to vector<2048xf32>
    %broadcast_in_dim3A_67 = vector.shape_cast %reduce_sum3A_66 : vector<2048xf32> to vector<2048x1xf32>
    %swap3A_68 = arith.constant 0 : index
    %swap3A_69 = arith.constant 1 : index
    %swap3A_70 = arith.constant 0 : index
    %swap3A_71 = arith.constant 0 : index
    %swap3A_72 = vector.load %arg2[%swap3A_68, %swap3A_69, %swap3A_70, %swap3A_71] : memref<1x4x2048x1xf32, #tpu.memory_space<vmem>>, vector<1x1x2048x1xf32>
    %swap3A_73 = vector.shape_cast %swap3A_72 : vector<1x1x2048x1xf32> to vector<2048x1xf32>
    %swap3A_74 = vector.shape_cast %broadcast_in_dim3A_67 : vector<2048x1xf32> to vector<1x1x2048x1xf32>
    tpu.vector_store %arg2[%swap3A_68, %swap3A_69, %swap3A_70, %swap3A_71], %swap3A_74 {strides = array<i32>} : memref<1x4x2048x1xf32, #tpu.memory_space<vmem>>, vector<1x1x2048x1xf32>,
    %jit3A_75 = arith.constant 0xFF800000 : f32
    %broadcast_in_dim3A_76 = vector.broadcast %jit3A_75 : f32 to vector<1x64xf32>
    %select_n3A_77 = arith.select %eq3A_59, %broadcast_in_dim3A_76, %select_n3A_42 : vector<1x64xi1>, vector<1x64xf32>
    %reduce_max3A_78 = vector.shape_cast %select_n3A_77 : vector<1x64xf32> to vector<1x1x64xf32>
    %reduce_max3A_79 = arith.constant dense<0xFF800000> : vector<1xf32>
    %reduce_max3A_80 = vector.multi_reduction <maximumf>, %reduce_max3A_78, %reduce_max3A_79 [1, 2] : vector<1x1x64xf32> to vector<1xf32>
    %reduce_max3A_81 = vector.shape_cast %reduce_max3A_80 : vector<1xf32> to vector<1x1x1xf32>
    %reduce_max3A_82 = vector.extract %reduce_max3A_81[0, 0, 0] : f32 from vector<1x1x1xf32>
    %eq3A_83 = vector.broadcast %reduce_max3A_82 : f32 to vector<1x64xf32>
    %eq3A_84 = arith.cmpf oeq, %select_n3A_77, %eq3A_83 : vector<1x64xf32>
    %jit3A_85 = arith.constant 64 : i32
    %broadcast_in_dim3A_86 = vector.broadcast %jit3A_85 : i32 to vector<1x64xi32>
    %select_n3A_87 = arith.select %eq3A_84, %iota3A, %broadcast_in_dim3A_86 : vector<1x64xi1>, vector<1x64xi32>
    %reduce_min3A_88 = vector.shape_cast %select_n3A_87 : vector<1x64xi32> to vector<1x1x64xi32>
    %reduce_min3A_89 = arith.constant dense<2147483647> : vector<1xi32>
    %reduce_min3A_90 = vector.multi_reduction <minsi>, %reduce_min3A_88, %reduce_min3A_89 [1, 2] : vector<1x1x64xi32> to vector<1xi32>
    %reduce_min3A_91 = vector.shape_cast %reduce_min3A_90 : vector<1xi32> to vector<1x1x1xi32>
    %reduce_min3A_92 = vector.extract %reduce_min3A_91[0, 0, 0] : i32 from vector<1x1x1xi32>
    %eq3A_93 = vector.broadcast %reduce_min3A_92 : i32 to vector<1x64xi32>
    %eq3A_94 = arith.cmpi eq, %iota3A, %eq3A_93 : vector<1x64xi32>
    %broadcast_in_dim3A_95 = vector.shape_cast %eq3A_94 : vector<1x64xi1> to vector<1x64xi1>
    %broadcast_in_dim3A_96 = vector.broadcast %broadcast_in_dim3A_95 : vector<1x64xi1> to vector<2048x64xi1>
    %jit3A_97 = arith.constant 0.000000e+00 : f32
    %broadcast_in_dim3A_98 = vector.broadcast %jit3A_97 : f32 to vector<2048x64xf32>
    %select_n3A_99 = arith.select %broadcast_in_dim3A_96, %get3A_3, %broadcast_in_dim3A_98 : vector<2048x64xi1>, vector<2048x64xf32>
    %reduce_sum3A_100 = arith.constant dense<0.000000e+00> : vector<2048xf32>
    %reduce_sum3A_101 = vector.multi_reduction <add>, %select_n3A_99, %reduce_sum3A_100 [1] : vector<2048x64xf32> to vector<2048xf32>
    %broadcast_in_dim3A_102 = vector.shape_cast %reduce_sum3A_101 : vector<2048xf32> to vector<2048x1xf32>
    %swap3A_103 = arith.constant 0 : index
    %swap3A_104 = arith.constant 2 : index
    %swap3A_105 = arith.constant 0 : index
    %swap3A_106 = arith.constant 0 : index
    %swap3A_107 = vector.load %arg2[%swap3A_103, %swap3A_104, %swap3A_105, %swap3A_106] : memref<1x4x2048x1xf32, #tpu.memory_space<vmem>>, vector<1x1x2048x1xf32>
    %swap3A_108 = vector.shape_cast %swap3A_107 : vector<1x1x2048x1xf32> to vector<2048x1xf32>
    %swap3A_109 = vector.shape_cast %broadcast_in_dim3A_102 : vector<2048x1xf32> to vector<1x1x2048x1xf32>
    tpu.vector_store %arg2[%swap3A_103, %swap3A_104, %swap3A_105, %swap3A_106], %swap3A_109 {strides = array<i32>} : memref<1x4x2048x1xf32, #tpu.memory_space<vmem>>, vector<1x1x2048x1xf32>,
    %jit3A_110 = arith.constant 0xFF800000 : f32
    %broadcast_in_dim3A_111 = vector.broadcast %jit3A_110 : f32 to vector<1x64xf32>
    %select_n3A_112 = arith.select %eq3A_94, %broadcast_in_dim3A_111, %select_n3A_77 : vector<1x64xi1>, vector<1x64xf32>
    %reduce_max3A_113 = vector.shape_cast %select_n3A_112 : vector<1x64xf32> to vector<1x1x64xf32>
    %reduce_max3A_114 = arith.constant dense<0xFF800000> : vector<1xf32>
    %reduce_max3A_115 = vector.multi_reduction <maximumf>, %reduce_max3A_113, %reduce_max3A_114 [1, 2] : vector<1x1x64xf32> to vector<1xf32>
    %reduce_max3A_116 = vector.shape_cast %reduce_max3A_115 : vector<1xf32> to vector<1x1x1xf32>
    %reduce_max3A_117 = vector.extract %reduce_max3A_116[0, 0, 0] : f32 from vector<1x1x1xf32>
    %eq3A_118 = vector.broadcast %reduce_max3A_117 : f32 to vector<1x64xf32>
    %eq3A_119 = arith.cmpf oeq, %select_n3A_112, %eq3A_118 : vector<1x64xf32>
    %jit3A_120 = arith.constant 64 : i32
    %broadcast_in_dim3A_121 = vector.broadcast %jit3A_120 : i32 to vector<1x64xi32>
    %select_n3A_122 = arith.select %eq3A_119, %iota3A, %broadcast_in_dim3A_121 : vector<1x64xi1>, vector<1x64xi32>
    %reduce_min3A_123 = vector.shape_cast %select_n3A_122 : vector<1x64xi32> to vector<1x1x64xi32>
    %reduce_min3A_124 = arith.constant dense<2147483647> : vector<1xi32>
    %reduce_min3A_125 = vector.multi_reduction <minsi>, %reduce_min3A_123, %reduce_min3A_124 [1, 2] : vector<1x1x64xi32> to vector<1xi32>
    %reduce_min3A_126 = vector.shape_cast %reduce_min3A_125 : vector<1xi32> to vector<1x1x1xi32>
    %reduce_min3A_127 = vector.extract %reduce_min3A_126[0, 0, 0] : i32 from vector<1x1x1xi32>
    %eq3A_128 = vector.broadcast %reduce_min3A_127 : i32 to vector<1x64xi32>
    %eq3A_129 = arith.cmpi eq, %iota3A, %eq3A_128 : vector<1x64xi32>
    %broadcast_in_dim3A_130 = vector.shape_cast %eq3A_129 : vector<1x64xi1> to vector<1x64xi1>
    %broadcast_in_dim3A_131 = vector.broadcast %broadcast_in_dim3A_130 : vector<1x64xi1> to vector<2048x64xi1>
    %jit3A_132 = arith.constant 0.000000e+00 : f32
    %broadcast_in_dim3A_133 = vector.broadcast %jit3A_132 : f32 to vector<2048x64xf32>
    %select_n3A_134 = arith.select %broadcast_in_dim3A_131, %get3A_3, %broadcast_in_dim3A_133 : vector<2048x64xi1>, vector<2048x64xf32>
    %reduce_sum3A_135 = arith.constant dense<0.000000e+00> : vector<2048xf32>
    %reduce_sum3A_136 = vector.multi_reduction <add>, %select_n3A_134, %reduce_sum3A_135 [1] : vector<2048x64xf32> to vector<2048xf32>
    %broadcast_in_dim3A_137 = vector.shape_cast %reduce_sum3A_136 : vector<2048xf32> to vector<2048x1xf32>
    %swap3A_138 = arith.constant 0 : index
    %swap3A_139 = arith.constant 3 : index
    %swap3A_140 = arith.constant 0 : index
    %swap3A_141 = arith.constant 0 : index
    %swap3A_142 = vector.load %arg2[%swap3A_138, %swap3A_139, %swap3A_140, %swap3A_141] : memref<1x4x2048x1xf32, #tpu.memory_space<vmem>>, vector<1x1x2048x1xf32>
    %swap3A_143 = vector.shape_cast %swap3A_142 : vector<1x1x2048x1xf32> to vector<2048x1xf32>
    %swap3A_144 = vector.shape_cast %broadcast_in_dim3A_137 : vector<2048x1xf32> to vector<1x1x2048x1xf32>
    tpu.vector_store %arg2[%swap3A_138, %swap3A_139, %swap3A_140, %swap3A_141], %swap3A_144 {strides = array<i32>} : memref<1x4x2048x1xf32, #tpu.memory_space<vmem>>, vector<1x1x2048x1xf32>,
    return
  }
  func.func @transform_0(%arg0: i32) -> (i32, i32, i32) {
    %c0_i32 = arith.constant 0 : i32
    %c0_i32_0 = arith.constant 0 : i32
    %c0_i32_1 = arith.constant 0 : i32
    return %arg0, %c0_i32, %c0_i32_0 : i32, i32, i32
  }
  func.func @transform_1(%arg0: i32) -> (i32, i32, i32, i32) {
    %c0_i32 = arith.constant 0 : i32
    %c0_i32_0 = arith.constant 0 : i32
    %c0_i32_1 = arith.constant 0 : i32
    %c0_i32_2 = arith.constant 0 : i32
    return %arg0, %c0_i32, %c0_i32_0, %c0_i32_1 : i32, i32, i32, i32
  }
}

module attributes {stable_mosaic.version = 14 : i64} {
  func.func @_stage_b2_body(%arg0: i32, %arg1: i32, %arg2: memref<1x1x2048x1xf32, #tpu.memory_space<vmem>>, %arg3: memref<1x1x1x2048xf32, #tpu.memory_space<vmem>>, %arg4: memref<1x1x1x2048xi32, #tpu.memory_space<vmem>>) attributes {dimension_semantics = [#tpu.dimension_semantics<arbitrary>, #tpu.dimension_semantics<arbitrary>], iteration_bounds = array<i64: 2, 4>, scalar_prefetch = 0 : i64, scratch_operands = 0 : i64, tpu.core_type = #tpu.core_type<tc>, window_params = [{transform_indices = @transform_0, window_bounds = array<i64: 1, 1, 2048, 1>}, {transform_indices = @transform_1, window_bounds = array<i64: 1, 1, 1, 2048>}, {transform_indices = @transform_2, window_bounds = array<i64: 1, 1, 1, 2048>}]} {
    %get3A = arith.constant 0 : index
    %get3A_0 = arith.constant 0 : index
    %get3A_1 = arith.constant 0 : index
    %get3A_2 = arith.constant 0 : index
    %get3A_3 = vector.load %arg3[%get3A, %get3A_0, %get3A_1, %get3A_2] : memref<1x1x1x2048xf32, #tpu.memory_space<vmem>>, vector<1x1x1x2048xf32>
    %get3A_4 = vector.shape_cast %get3A_3 : vector<1x1x1x2048xf32> to vector<1x2048xf32>
    %iota3A = tpu.iota {dimensions = array<i32: 1>} : vector<1x2048xi32>
    %broadcast_in_dim3A = arith.constant 0 : i32
    %broadcast_in_dim3A_5 = vector.broadcast %broadcast_in_dim3A : i32 to vector<1x2048xi32>
    %get3A_6 = arith.constant 0 : index
    %get3A_7 = arith.constant 0 : index
    %get3A_8 = arith.constant 0 : index
    %get3A_9 = arith.constant 0 : index
    %get3A_10 = vector.load %arg2[%get3A_6, %get3A_7, %get3A_8, %get3A_9] : memref<1x1x2048x1xf32, #tpu.memory_space<vmem>>, vector<1x1x512x1xf32>
    %get3A_11 = vector.shape_cast %get3A_10 : vector<1x1x512x1xf32> to vector<512x1xf32>
    %iota3A_12 = tpu.iota {dimensions = array<i32: 0>} : vector<512x1xi32>
    %add3A = arith.constant 0 : i32
    %add3A_13 = vector.broadcast %add3A : i32 to vector<512x1xi32>
    %add3A_14 = arith.addi %iota3A_12, %add3A_13 : vector<512x1xi32>
    %lt3A = vector.broadcast %get3A_11 : vector<512x1xf32> to vector<512x2048xf32>
    %lt3A_15 = vector.broadcast %get3A_4 : vector<1x2048xf32> to vector<512x2048xf32>
    %lt3A_16 = arith.cmpf olt, %lt3A, %lt3A_15 : vector<512x2048xf32>
    %eq3A = vector.broadcast %get3A_11 : vector<512x1xf32> to vector<512x2048xf32>
    %eq3A_17 = vector.broadcast %get3A_4 : vector<1x2048xf32> to vector<512x2048xf32>
    %eq3A_18 = arith.cmpf oeq, %eq3A, %eq3A_17 : vector<512x2048xf32>
    %lt3A_19 = vector.broadcast %add3A_14 : vector<512x1xi32> to vector<512x2048xi32>
    %lt3A_20 = vector.broadcast %iota3A : vector<1x2048xi32> to vector<512x2048xi32>
    %lt3A_21 = arith.cmpi slt, %lt3A_19, %lt3A_20 : vector<512x2048xi32>
    %and3A = arith.andi %eq3A_18, %lt3A_21 : vector<512x2048xi1>
    %or3A = arith.ori %lt3A_16, %and3A : vector<512x2048xi1>
    %jit3A = arith.constant 1 : i32
    %jit3A_22 = arith.constant 0 : i32
    %broadcast_in_dim3A_23 = vector.broadcast %jit3A : i32 to vector<512x2048xi32>
    %broadcast_in_dim3A_24 = vector.broadcast %jit3A_22 : i32 to vector<512x2048xi32>
    %select_n3A = arith.select %or3A, %broadcast_in_dim3A_23, %broadcast_in_dim3A_24 : vector<512x2048xi1>, vector<512x2048xi32>
    %reduce_sum3A = arith.constant dense<0> : vector<2048xi32>
    %reduce_sum3A_25 = vector.multi_reduction <add>, %select_n3A, %reduce_sum3A [0] : vector<512x2048xi32> to vector<2048xi32>
    %broadcast_in_dim3A_26 = vector.shape_cast %reduce_sum3A_25 : vector<2048xi32> to vector<1x2048xi32>
    %add3A_27 = arith.addi %broadcast_in_dim3A_5, %broadcast_in_dim3A_26 : vector<1x2048xi32>
    %get3A_28 = arith.constant 0 : index
    %get3A_29 = arith.constant 0 : index
    %get3A_30 = arith.constant 512 : index
    %get3A_31 = arith.constant 0 : index
    %get3A_32 = vector.load %arg2[%get3A_28, %get3A_29, %get3A_30, %get3A_31] : memref<1x1x2048x1xf32, #tpu.memory_space<vmem>>, vector<1x1x512x1xf32>
    %get3A_33 = vector.shape_cast %get3A_32 : vector<1x1x512x1xf32> to vector<512x1xf32>
    %iota3A_34 = tpu.iota {dimensions = array<i32: 0>} : vector<512x1xi32>
    %add3A_35 = arith.constant 512 : i32
    %add3A_36 = vector.broadcast %add3A_35 : i32 to vector<512x1xi32>
    %add3A_37 = arith.addi %iota3A_34, %add3A_36 : vector<512x1xi32>
    %lt3A_38 = vector.broadcast %get3A_33 : vector<512x1xf32> to vector<512x2048xf32>
    %lt3A_39 = vector.broadcast %get3A_4 : vector<1x2048xf32> to vector<512x2048xf32>
    %lt3A_40 = arith.cmpf olt, %lt3A_38, %lt3A_39 : vector<512x2048xf32>
    %eq3A_41 = vector.broadcast %get3A_33 : vector<512x1xf32> to vector<512x2048xf32>
    %eq3A_42 = vector.broadcast %get3A_4 : vector<1x2048xf32> to vector<512x2048xf32>
    %eq3A_43 = arith.cmpf oeq, %eq3A_41, %eq3A_42 : vector<512x2048xf32>
    %lt3A_44 = vector.broadcast %add3A_37 : vector<512x1xi32> to vector<512x2048xi32>
    %lt3A_45 = vector.broadcast %iota3A : vector<1x2048xi32> to vector<512x2048xi32>
    %lt3A_46 = arith.cmpi slt, %lt3A_44, %lt3A_45 : vector<512x2048xi32>
    %and3A_47 = arith.andi %eq3A_43, %lt3A_46 : vector<512x2048xi1>
    %or3A_48 = arith.ori %lt3A_40, %and3A_47 : vector<512x2048xi1>
    %jit3A_49 = arith.constant 1 : i32
    %jit3A_50 = arith.constant 0 : i32
    %broadcast_in_dim3A_51 = vector.broadcast %jit3A_49 : i32 to vector<512x2048xi32>
    %broadcast_in_dim3A_52 = vector.broadcast %jit3A_50 : i32 to vector<512x2048xi32>
    %select_n3A_53 = arith.select %or3A_48, %broadcast_in_dim3A_51, %broadcast_in_dim3A_52 : vector<512x2048xi1>, vector<512x2048xi32>
    %reduce_sum3A_54 = arith.constant dense<0> : vector<2048xi32>
    %reduce_sum3A_55 = vector.multi_reduction <add>, %select_n3A_53, %reduce_sum3A_54 [0] : vector<512x2048xi32> to vector<2048xi32>
    %broadcast_in_dim3A_56 = vector.shape_cast %reduce_sum3A_55 : vector<2048xi32> to vector<1x2048xi32>
    %add3A_57 = arith.addi %add3A_27, %broadcast_in_dim3A_56 : vector<1x2048xi32>
    %get3A_58 = arith.constant 0 : index
    %get3A_59 = arith.constant 0 : index
    %get3A_60 = arith.constant 1024 : index
    %get3A_61 = arith.constant 0 : index
    %get3A_62 = vector.load %arg2[%get3A_58, %get3A_59, %get3A_60, %get3A_61] : memref<1x1x2048x1xf32, #tpu.memory_space<vmem>>, vector<1x1x512x1xf32>
    %get3A_63 = vector.shape_cast %get3A_62 : vector<1x1x512x1xf32> to vector<512x1xf32>
    %iota3A_64 = tpu.iota {dimensions = array<i32: 0>} : vector<512x1xi32>
    %add3A_65 = arith.constant 1024 : i32
    %add3A_66 = vector.broadcast %add3A_65 : i32 to vector<512x1xi32>
    %add3A_67 = arith.addi %iota3A_64, %add3A_66 : vector<512x1xi32>
    %lt3A_68 = vector.broadcast %get3A_63 : vector<512x1xf32> to vector<512x2048xf32>
    %lt3A_69 = vector.broadcast %get3A_4 : vector<1x2048xf32> to vector<512x2048xf32>
    %lt3A_70 = arith.cmpf olt, %lt3A_68, %lt3A_69 : vector<512x2048xf32>
    %eq3A_71 = vector.broadcast %get3A_63 : vector<512x1xf32> to vector<512x2048xf32>
    %eq3A_72 = vector.broadcast %get3A_4 : vector<1x2048xf32> to vector<512x2048xf32>
    %eq3A_73 = arith.cmpf oeq, %eq3A_71, %eq3A_72 : vector<512x2048xf32>
    %lt3A_74 = vector.broadcast %add3A_67 : vector<512x1xi32> to vector<512x2048xi32>
    %lt3A_75 = vector.broadcast %iota3A : vector<1x2048xi32> to vector<512x2048xi32>
    %lt3A_76 = arith.cmpi slt, %lt3A_74, %lt3A_75 : vector<512x2048xi32>
    %and3A_77 = arith.andi %eq3A_73, %lt3A_76 : vector<512x2048xi1>
    %or3A_78 = arith.ori %lt3A_70, %and3A_77 : vector<512x2048xi1>
    %jit3A_79 = arith.constant 1 : i32
    %jit3A_80 = arith.constant 0 : i32
    %broadcast_in_dim3A_81 = vector.broadcast %jit3A_79 : i32 to vector<512x2048xi32>
    %broadcast_in_dim3A_82 = vector.broadcast %jit3A_80 : i32 to vector<512x2048xi32>
    %select_n3A_83 = arith.select %or3A_78, %broadcast_in_dim3A_81, %broadcast_in_dim3A_82 : vector<512x2048xi1>, vector<512x2048xi32>
    %reduce_sum3A_84 = arith.constant dense<0> : vector<2048xi32>
    %reduce_sum3A_85 = vector.multi_reduction <add>, %select_n3A_83, %reduce_sum3A_84 [0] : vector<512x2048xi32> to vector<2048xi32>
    %broadcast_in_dim3A_86 = vector.shape_cast %reduce_sum3A_85 : vector<2048xi32> to vector<1x2048xi32>
    %add3A_87 = arith.addi %add3A_57, %broadcast_in_dim3A_86 : vector<1x2048xi32>
    %get3A_88 = arith.constant 0 : index
    %get3A_89 = arith.constant 0 : index
    %get3A_90 = arith.constant 1536 : index
    %get3A_91 = arith.constant 0 : index
    %get3A_92 = vector.load %arg2[%get3A_88, %get3A_89, %get3A_90, %get3A_91] : memref<1x1x2048x1xf32, #tpu.memory_space<vmem>>, vector<1x1x512x1xf32>
    %get3A_93 = vector.shape_cast %get3A_92 : vector<1x1x512x1xf32> to vector<512x1xf32>
    %iota3A_94 = tpu.iota {dimensions = array<i32: 0>} : vector<512x1xi32>
    %add3A_95 = arith.constant 1536 : i32
    %add3A_96 = vector.broadcast %add3A_95 : i32 to vector<512x1xi32>
    %add3A_97 = arith.addi %iota3A_94, %add3A_96 : vector<512x1xi32>
    %lt3A_98 = vector.broadcast %get3A_93 : vector<512x1xf32> to vector<512x2048xf32>
    %lt3A_99 = vector.broadcast %get3A_4 : vector<1x2048xf32> to vector<512x2048xf32>
    %lt3A_100 = arith.cmpf olt, %lt3A_98, %lt3A_99 : vector<512x2048xf32>
    %eq3A_101 = vector.broadcast %get3A_93 : vector<512x1xf32> to vector<512x2048xf32>
    %eq3A_102 = vector.broadcast %get3A_4 : vector<1x2048xf32> to vector<512x2048xf32>
    %eq3A_103 = arith.cmpf oeq, %eq3A_101, %eq3A_102 : vector<512x2048xf32>
    %lt3A_104 = vector.broadcast %add3A_97 : vector<512x1xi32> to vector<512x2048xi32>
    %lt3A_105 = vector.broadcast %iota3A : vector<1x2048xi32> to vector<512x2048xi32>
    %lt3A_106 = arith.cmpi slt, %lt3A_104, %lt3A_105 : vector<512x2048xi32>
    %and3A_107 = arith.andi %eq3A_103, %lt3A_106 : vector<512x2048xi1>
    %or3A_108 = arith.ori %lt3A_100, %and3A_107 : vector<512x2048xi1>
    %jit3A_109 = arith.constant 1 : i32
    %jit3A_110 = arith.constant 0 : i32
    %broadcast_in_dim3A_111 = vector.broadcast %jit3A_109 : i32 to vector<512x2048xi32>
    %broadcast_in_dim3A_112 = vector.broadcast %jit3A_110 : i32 to vector<512x2048xi32>
    %select_n3A_113 = arith.select %or3A_108, %broadcast_in_dim3A_111, %broadcast_in_dim3A_112 : vector<512x2048xi1>, vector<512x2048xi32>
    %reduce_sum3A_114 = arith.constant dense<0> : vector<2048xi32>
    %reduce_sum3A_115 = vector.multi_reduction <add>, %select_n3A_113, %reduce_sum3A_114 [0] : vector<512x2048xi32> to vector<2048xi32>
    %broadcast_in_dim3A_116 = vector.shape_cast %reduce_sum3A_115 : vector<2048xi32> to vector<1x2048xi32>
    %add3A_117 = arith.addi %add3A_87, %broadcast_in_dim3A_116 : vector<1x2048xi32>
    %mul3A = arith.constant 4 : i32
    %mul3A_118 = arith.muli %arg0, %mul3A : i32
    %add3A_119 = arith.addi %mul3A_118, %arg1 : i32
    %mul3A_120 = arith.constant 2048 : i32
    %mul3A_121 = arith.muli %add3A_119, %mul3A_120 : i32
    %add3A_122 = vector.broadcast %mul3A_121 : i32 to vector<1x2048xi32>
    %add3A_123 = arith.addi %add3A_117, %add3A_122 : vector<1x2048xi32>
    %swap3A = arith.constant 0 : index
    %swap3A_124 = arith.constant 0 : index
    %swap3A_125 = arith.constant 0 : index
    %swap3A_126 = arith.constant 0 : index
    %swap3A_127 = vector.load %arg4[%swap3A, %swap3A_124, %swap3A_125, %swap3A_126] : memref<1x1x1x2048xi32, #tpu.memory_space<vmem>>, vector<1x1x1x2048xi32>
    %swap3A_128 = vector.shape_cast %swap3A_127 : vector<1x1x1x2048xi32> to vector<1x2048xi32>
    %swap3A_129 = vector.shape_cast %add3A_123 : vector<1x2048xi32> to vector<1x1x1x2048xi32>
    tpu.vector_store %arg4[%swap3A, %swap3A_124, %swap3A_125, %swap3A_126], %swap3A_129 {strides = array<i32>} : memref<1x1x1x2048xi32, #tpu.memory_space<vmem>>, vector<1x1x1x2048xi32>,
    return
  }
  func.func @transform_0(%arg0: i32, %arg1: i32) -> (i32, i32, i32, i32) {
    %c0_i32 = arith.constant 0 : i32
    %c0_i32_0 = arith.constant 0 : i32
    %c0_i32_1 = arith.constant 0 : i32
    return %arg0, %arg1, %c0_i32, %c0_i32_0 : i32, i32, i32, i32
  }
  func.func @transform_1(%arg0: i32, %arg1: i32) -> (i32, i32, i32, i32) {
    %c0_i32 = arith.constant 0 : i32
    %c0_i32_0 = arith.constant 0 : i32
    %c0_i32_1 = arith.constant 0 : i32
    return %arg0, %arg1, %c0_i32, %c0_i32_0 : i32, i32, i32, i32
  }
  func.func @transform_2(%arg0: i32, %arg1: i32) -> (i32, i32, i32, i32) {
    %c0_i32 = arith.constant 0 : i32
    %c0_i32_0 = arith.constant 0 : i32
    %c0_i32_1 = arith.constant 0 : i32
    return %arg0, %arg1, %c0_i32, %c0_i32_0 : i32, i32, i32, i32
  }
}

module attributes {stable_mosaic.version = 14 : i64} {
  func.func @_stage_c_body(%arg0: i32, %arg1: i32, %arg2: memref<1x4x8x256xf32, #tpu.memory_space<vmem>>, %arg3: memref<1x4x512x256xf32, #tpu.memory_space<vmem>>, %arg4: memref<1x4x8x256xf32, #tpu.memory_space<vmem>>, %arg5: memref<1x512x1024xf32, #tpu.memory_space<vmem>>, %arg6: memref<512x1024xf32, #tpu.memory_space<vmem>>, %arg7: memref<1x512xf32, #tpu.memory_space<vmem>>, %arg8: memref<1x1024xf32, #tpu.memory_space<vmem>>, %arg9: memref<1x1024xf32, #tpu.memory_space<vmem>>, %arg10: memref<1x1024xf32, #tpu.memory_space<vmem>>, %arg11: memref<1x512x1024xf32, #tpu.memory_space<vmem>>) attributes {dimension_semantics = [#tpu.dimension_semantics<arbitrary>, #tpu.dimension_semantics<arbitrary>], iteration_bounds = array<i64: 2, 4>, scalar_prefetch = 0 : i64, scratch_operands = 0 : i64, tpu.core_type = #tpu.core_type<tc>, window_params = [{transform_indices = @transform_0, window_bounds = array<i64: 1, 4, 8, 256>}, {transform_indices = @transform_1, window_bounds = array<i64: 1, 4, 512, 256>}, {transform_indices = @transform_2, window_bounds = array<i64: 1, 4, 8, 256>}, {transform_indices = @transform_3, window_bounds = array<i64: 1, 512, 1024>}, {pipeline_mode = #tpu.pipeline_mode<synchronous>, transform_indices = @transform_4, window_bounds = array<i64: 512, 1024>}, {pipeline_mode = #tpu.pipeline_mode<synchronous>, transform_indices = @transform_5, window_bounds = array<i64: 1, 512>}, {pipeline_mode = #tpu.pipeline_mode<synchronous>, transform_indices = @transform_6, window_bounds = array<i64: 1, 1024>}, {pipeline_mode = #tpu.pipeline_mode<synchronous>, transform_indices = @transform_7, window_bounds = array<i64: 1, 1024>}, {pipeline_mode = #tpu.pipeline_mode<synchronous>, transform_indices = @transform_8, window_bounds = array<i64: 1, 1024>}, {transform_indices = @transform_9, window_bounds = array<i64: 1, 512, 1024>}]} {
    %get3A = arith.constant 0 : index
    %get3A_0 = arith.constant 0 : index
    %get3A_1 = vector.load %arg7[%get3A, %get3A_0] : memref<1x512xf32, #tpu.memory_space<vmem>>, vector<1x512xf32>
    %get3A_2 = arith.constant 0 : index
    %get3A_3 = arith.constant 0 : index
    %get3A_4 = arith.constant 4 : index
    %get3A_5 = arith.constant 0 : index
    %get3A_6 = vector.load %arg2[%get3A_2, %get3A_3, %get3A_4, %get3A_5] : memref<1x4x8x256xf32, #tpu.memory_space<vmem>>, vector<1x4x4x256xf32>
    %get3A_7 = vector.shape_cast %get3A_6 : vector<1x4x4x256xf32> to vector<4x4x256xf32>
    %broadcast_in_dim3A = arith.constant 0.000000e+00 : f32
    %broadcast_in_dim3A_8 = vector.broadcast %broadcast_in_dim3A : f32 to vector<4x256xf32>
    %broadcast_in_dim3A_9 = arith.constant 0.000000e+00 : f32
    %broadcast_in_dim3A_10 = vector.broadcast %broadcast_in_dim3A_9 : f32 to vector<4x256xf32>
    %slice3A = vector.extract_strided_slice %get3A_7 {offsets = [0, 0, 0], sizes = [1, 4, 256], strides = [1, 1, 1]} : vector<4x4x256xf32> to vector<1x4x256xf32>
    %squeeze3A = vector.shape_cast %slice3A : vector<1x4x256xf32> to vector<4x256xf32>
    %bitcast_convert_type3A = tpu.bitcast %squeeze3A : vector<4x256xf32> -> vector<4x256xi32>
    %shift_left3A = arith.constant 16 : i32
    %shift_left3A_11 = vector.broadcast %shift_left3A : i32 to vector<4x256xi32>
    %shift_left3A_12 = arith.shli %bitcast_convert_type3A, %shift_left3A_11 : vector<4x256xi32>
    %bitcast_convert_type3A_13 = tpu.bitcast %shift_left3A_12 : vector<4x256xi32> -> vector<4x256xf32>
    %add3A = arith.addf %broadcast_in_dim3A_8, %bitcast_convert_type3A_13 : vector<4x256xf32>
    %and3A = arith.constant -65536 : i32
    %and3A_14 = vector.broadcast %and3A : i32 to vector<4x256xi32>
    %and3A_15 = arith.andi %bitcast_convert_type3A, %and3A_14 : vector<4x256xi32>
    %bitcast_convert_type3A_16 = tpu.bitcast %and3A_15 : vector<4x256xi32> -> vector<4x256xf32>
    %add3A_17 = arith.addf %broadcast_in_dim3A_10, %bitcast_convert_type3A_16 : vector<4x256xf32>
    %slice3A_18 = vector.extract_strided_slice %get3A_7 {offsets = [1, 0, 0], sizes = [1, 4, 256], strides = [1, 1, 1]} : vector<4x4x256xf32> to vector<1x4x256xf32>
    %squeeze3A_19 = vector.shape_cast %slice3A_18 : vector<1x4x256xf32> to vector<4x256xf32>
    %bitcast_convert_type3A_20 = tpu.bitcast %squeeze3A_19 : vector<4x256xf32> -> vector<4x256xi32>
    %shift_left3A_21 = arith.constant 16 : i32
    %shift_left3A_22 = vector.broadcast %shift_left3A_21 : i32 to vector<4x256xi32>
    %shift_left3A_23 = arith.shli %bitcast_convert_type3A_20, %shift_left3A_22 : vector<4x256xi32>
    %bitcast_convert_type3A_24 = tpu.bitcast %shift_left3A_23 : vector<4x256xi32> -> vector<4x256xf32>
    %add3A_25 = arith.addf %add3A, %bitcast_convert_type3A_24 : vector<4x256xf32>
    %and3A_26 = arith.constant -65536 : i32
    %and3A_27 = vector.broadcast %and3A_26 : i32 to vector<4x256xi32>
    %and3A_28 = arith.andi %bitcast_convert_type3A_20, %and3A_27 : vector<4x256xi32>
    %bitcast_convert_type3A_29 = tpu.bitcast %and3A_28 : vector<4x256xi32> -> vector<4x256xf32>
    %add3A_30 = arith.addf %add3A_17, %bitcast_convert_type3A_29 : vector<4x256xf32>
    %slice3A_31 = vector.extract_strided_slice %get3A_7 {offsets = [2, 0, 0], sizes = [1, 4, 256], strides = [1, 1, 1]} : vector<4x4x256xf32> to vector<1x4x256xf32>
    %squeeze3A_32 = vector.shape_cast %slice3A_31 : vector<1x4x256xf32> to vector<4x256xf32>
    %bitcast_convert_type3A_33 = tpu.bitcast %squeeze3A_32 : vector<4x256xf32> -> vector<4x256xi32>
    %shift_left3A_34 = arith.constant 16 : i32
    %shift_left3A_35 = vector.broadcast %shift_left3A_34 : i32 to vector<4x256xi32>
    %shift_left3A_36 = arith.shli %bitcast_convert_type3A_33, %shift_left3A_35 : vector<4x256xi32>
    %bitcast_convert_type3A_37 = tpu.bitcast %shift_left3A_36 : vector<4x256xi32> -> vector<4x256xf32>
    %add3A_38 = arith.addf %add3A_25, %bitcast_convert_type3A_37 : vector<4x256xf32>
    %and3A_39 = arith.constant -65536 : i32
    %and3A_40 = vector.broadcast %and3A_39 : i32 to vector<4x256xi32>
    %and3A_41 = arith.andi %bitcast_convert_type3A_33, %and3A_40 : vector<4x256xi32>
    %bitcast_convert_type3A_42 = tpu.bitcast %and3A_41 : vector<4x256xi32> -> vector<4x256xf32>
    %add3A_43 = arith.addf %add3A_30, %bitcast_convert_type3A_42 : vector<4x256xf32>
    %slice3A_44 = vector.extract_strided_slice %get3A_7 {offsets = [3, 0, 0], sizes = [1, 4, 256], strides = [1, 1, 1]} : vector<4x4x256xf32> to vector<1x4x256xf32>
    %squeeze3A_45 = vector.shape_cast %slice3A_44 : vector<1x4x256xf32> to vector<4x256xf32>
    %bitcast_convert_type3A_46 = tpu.bitcast %squeeze3A_45 : vector<4x256xf32> -> vector<4x256xi32>
    %shift_left3A_47 = arith.constant 16 : i32
    %shift_left3A_48 = vector.broadcast %shift_left3A_47 : i32 to vector<4x256xi32>
    %shift_left3A_49 = arith.shli %bitcast_convert_type3A_46, %shift_left3A_48 : vector<4x256xi32>
    %bitcast_convert_type3A_50 = tpu.bitcast %shift_left3A_49 : vector<4x256xi32> -> vector<4x256xf32>
    %add3A_51 = arith.addf %add3A_38, %bitcast_convert_type3A_50 : vector<4x256xf32>
    %and3A_52 = arith.constant -65536 : i32
    %and3A_53 = vector.broadcast %and3A_52 : i32 to vector<4x256xi32>
    %and3A_54 = arith.andi %bitcast_convert_type3A_46, %and3A_53 : vector<4x256xi32>
    %bitcast_convert_type3A_55 = tpu.bitcast %and3A_54 : vector<4x256xi32> -> vector<4x256xf32>
    %add3A_56 = arith.addf %add3A_43, %bitcast_convert_type3A_55 : vector<4x256xf32>
    %concatenate3A = tpu.concatenate %add3A_51, %add3A_56 in 1 : vector<4x256xf32>, vector<4x256xf32> -> vector<4x512xf32>
    %add3A_57 = vector.broadcast %get3A_1 : vector<1x512xf32> to vector<4x512xf32>
    %add3A_58 = arith.addf %concatenate3A, %add3A_57 : vector<4x512xf32>
    %max3A = arith.constant 0.000000e+00 : f32
    %max3A_59 = vector.broadcast %max3A : f32 to vector<4x512xf32>
    %max3A_60 = arith.maximumf %add3A_58, %max3A_59 : vector<4x512xf32>
    %get3A_61 = arith.constant 0 : index
    %get3A_62 = arith.constant 0 : index
    %get3A_63 = arith.constant 0 : index
    %get3A_64 = arith.constant 0 : index
    %get3A_65 = vector.load %arg3[%get3A_61, %get3A_62, %get3A_63, %get3A_64] : memref<1x4x512x256xf32, #tpu.memory_space<vmem>>, vector<1x4x512x256xf32>
    %get3A_66 = vector.shape_cast %get3A_65 : vector<1x4x512x256xf32> to vector<4x512x256xf32>
    %broadcast_in_dim3A_67 = arith.constant 0.000000e+00 : f32
    %broadcast_in_dim3A_68 = vector.broadcast %broadcast_in_dim3A_67 : f32 to vector<512x256xf32>
    %broadcast_in_dim3A_69 = arith.constant 0.000000e+00 : f32
    %broadcast_in_dim3A_70 = vector.broadcast %broadcast_in_dim3A_69 : f32 to vector<512x256xf32>
    %slice3A_71 = vector.extract_strided_slice %get3A_66 {offsets = [0, 0, 0], sizes = [1, 512, 256], strides = [1, 1, 1]} : vector<4x512x256xf32> to vector<1x512x256xf32>
    %squeeze3A_72 = vector.shape_cast %slice3A_71 : vector<1x512x256xf32> to vector<512x256xf32>
    %bitcast_convert_type3A_73 = tpu.bitcast %squeeze3A_72 : vector<512x256xf32> -> vector<512x256xi32>
    %shift_left3A_74 = arith.constant 16 : i32
    %shift_left3A_75 = vector.broadcast %shift_left3A_74 : i32 to vector<512x256xi32>
    %shift_left3A_76 = arith.shli %bitcast_convert_type3A_73, %shift_left3A_75 : vector<512x256xi32>
    %bitcast_convert_type3A_77 = tpu.bitcast %shift_left3A_76 : vector<512x256xi32> -> vector<512x256xf32>
    %add3A_78 = arith.addf %broadcast_in_dim3A_68, %bitcast_convert_type3A_77 : vector<512x256xf32>
    %and3A_79 = arith.constant -65536 : i32
    %and3A_80 = vector.broadcast %and3A_79 : i32 to vector<512x256xi32>
    %and3A_81 = arith.andi %bitcast_convert_type3A_73, %and3A_80 : vector<512x256xi32>
    %bitcast_convert_type3A_82 = tpu.bitcast %and3A_81 : vector<512x256xi32> -> vector<512x256xf32>
    %add3A_83 = arith.addf %broadcast_in_dim3A_70, %bitcast_convert_type3A_82 : vector<512x256xf32>
    %slice3A_84 = vector.extract_strided_slice %get3A_66 {offsets = [1, 0, 0], sizes = [1, 512, 256], strides = [1, 1, 1]} : vector<4x512x256xf32> to vector<1x512x256xf32>
    %squeeze3A_85 = vector.shape_cast %slice3A_84 : vector<1x512x256xf32> to vector<512x256xf32>
    %bitcast_convert_type3A_86 = tpu.bitcast %squeeze3A_85 : vector<512x256xf32> -> vector<512x256xi32>
    %shift_left3A_87 = arith.constant 16 : i32
    %shift_left3A_88 = vector.broadcast %shift_left3A_87 : i32 to vector<512x256xi32>
    %shift_left3A_89 = arith.shli %bitcast_convert_type3A_86, %shift_left3A_88 : vector<512x256xi32>
    %bitcast_convert_type3A_90 = tpu.bitcast %shift_left3A_89 : vector<512x256xi32> -> vector<512x256xf32>
    %add3A_91 = arith.addf %add3A_78, %bitcast_convert_type3A_90 : vector<512x256xf32>
    %and3A_92 = arith.constant -65536 : i32
    %and3A_93 = vector.broadcast %and3A_92 : i32 to vector<512x256xi32>
    %and3A_94 = arith.andi %bitcast_convert_type3A_86, %and3A_93 : vector<512x256xi32>
    %bitcast_convert_type3A_95 = tpu.bitcast %and3A_94 : vector<512x256xi32> -> vector<512x256xf32>
    %add3A_96 = arith.addf %add3A_83, %bitcast_convert_type3A_95 : vector<512x256xf32>
    %slice3A_97 = vector.extract_strided_slice %get3A_66 {offsets = [2, 0, 0], sizes = [1, 512, 256], strides = [1, 1, 1]} : vector<4x512x256xf32> to vector<1x512x256xf32>
    %squeeze3A_98 = vector.shape_cast %slice3A_97 : vector<1x512x256xf32> to vector<512x256xf32>
    %bitcast_convert_type3A_99 = tpu.bitcast %squeeze3A_98 : vector<512x256xf32> -> vector<512x256xi32>
    %shift_left3A_100 = arith.constant 16 : i32
    %shift_left3A_101 = vector.broadcast %shift_left3A_100 : i32 to vector<512x256xi32>
    %shift_left3A_102 = arith.shli %bitcast_convert_type3A_99, %shift_left3A_101 : vector<512x256xi32>
    %bitcast_convert_type3A_103 = tpu.bitcast %shift_left3A_102 : vector<512x256xi32> -> vector<512x256xf32>
    %add3A_104 = arith.addf %add3A_91, %bitcast_convert_type3A_103 : vector<512x256xf32>
    %and3A_105 = arith.constant -65536 : i32
    %and3A_106 = vector.broadcast %and3A_105 : i32 to vector<512x256xi32>
    %and3A_107 = arith.andi %bitcast_convert_type3A_99, %and3A_106 : vector<512x256xi32>
    %bitcast_convert_type3A_108 = tpu.bitcast %and3A_107 : vector<512x256xi32> -> vector<512x256xf32>
    %add3A_109 = arith.addf %add3A_96, %bitcast_convert_type3A_108 : vector<512x256xf32>
    %slice3A_110 = vector.extract_strided_slice %get3A_66 {offsets = [3, 0, 0], sizes = [1, 512, 256], strides = [1, 1, 1]} : vector<4x512x256xf32> to vector<1x512x256xf32>
    %squeeze3A_111 = vector.shape_cast %slice3A_110 : vector<1x512x256xf32> to vector<512x256xf32>
    %bitcast_convert_type3A_112 = tpu.bitcast %squeeze3A_111 : vector<512x256xf32> -> vector<512x256xi32>
    %shift_left3A_113 = arith.constant 16 : i32
    %shift_left3A_114 = vector.broadcast %shift_left3A_113 : i32 to vector<512x256xi32>
    %shift_left3A_115 = arith.shli %bitcast_convert_type3A_112, %shift_left3A_114 : vector<512x256xi32>
    %bitcast_convert_type3A_116 = tpu.bitcast %shift_left3A_115 : vector<512x256xi32> -> vector<512x256xf32>
    %add3A_117 = arith.addf %add3A_104, %bitcast_convert_type3A_116 : vector<512x256xf32>
    %and3A_118 = arith.constant -65536 : i32
    %and3A_119 = vector.broadcast %and3A_118 : i32 to vector<512x256xi32>
    %and3A_120 = arith.andi %bitcast_convert_type3A_112, %and3A_119 : vector<512x256xi32>
    %bitcast_convert_type3A_121 = tpu.bitcast %and3A_120 : vector<512x256xi32> -> vector<512x256xf32>
    %add3A_122 = arith.addf %add3A_109, %bitcast_convert_type3A_121 : vector<512x256xf32>
    %concatenate3A_123 = tpu.concatenate %add3A_117, %add3A_122 in 1 : vector<512x256xf32>, vector<512x256xf32> -> vector<512x512xf32>
    %add3A_124 = vector.broadcast %get3A_1 : vector<1x512xf32> to vector<512x512xf32>
    %add3A_125 = arith.addf %concatenate3A_123, %add3A_124 : vector<512x512xf32>
    %max3A_126 = arith.constant 0.000000e+00 : f32
    %max3A_127 = vector.broadcast %max3A_126 : f32 to vector<512x512xf32>
    %max3A_128 = arith.maximumf %add3A_125, %max3A_127 : vector<512x512xf32>
    %get3A_129 = arith.constant 0 : index
    %get3A_130 = arith.constant 0 : index
    %get3A_131 = arith.constant 0 : index
    %get3A_132 = arith.constant 0 : index
    %get3A_133 = vector.load %arg4[%get3A_129, %get3A_130, %get3A_131, %get3A_132] : memref<1x4x8x256xf32, #tpu.memory_space<vmem>>, vector<1x4x4x256xf32>
    %get3A_134 = vector.shape_cast %get3A_133 : vector<1x4x4x256xf32> to vector<4x4x256xf32>
    %broadcast_in_dim3A_135 = arith.constant 0.000000e+00 : f32
    %broadcast_in_dim3A_136 = vector.broadcast %broadcast_in_dim3A_135 : f32 to vector<4x256xf32>
    %broadcast_in_dim3A_137 = arith.constant 0.000000e+00 : f32
    %broadcast_in_dim3A_138 = vector.broadcast %broadcast_in_dim3A_137 : f32 to vector<4x256xf32>
    %slice3A_139 = vector.extract_strided_slice %get3A_134 {offsets = [0, 0, 0], sizes = [1, 4, 256], strides = [1, 1, 1]} : vector<4x4x256xf32> to vector<1x4x256xf32>
    %squeeze3A_140 = vector.shape_cast %slice3A_139 : vector<1x4x256xf32> to vector<4x256xf32>
    %bitcast_convert_type3A_141 = tpu.bitcast %squeeze3A_140 : vector<4x256xf32> -> vector<4x256xi32>
    %shift_left3A_142 = arith.constant 16 : i32
    %shift_left3A_143 = vector.broadcast %shift_left3A_142 : i32 to vector<4x256xi32>
    %shift_left3A_144 = arith.shli %bitcast_convert_type3A_141, %shift_left3A_143 : vector<4x256xi32>
    %bitcast_convert_type3A_145 = tpu.bitcast %shift_left3A_144 : vector<4x256xi32> -> vector<4x256xf32>
    %add3A_146 = arith.addf %broadcast_in_dim3A_136, %bitcast_convert_type3A_145 : vector<4x256xf32>
    %and3A_147 = arith.constant -65536 : i32
    %and3A_148 = vector.broadcast %and3A_147 : i32 to vector<4x256xi32>
    %and3A_149 = arith.andi %bitcast_convert_type3A_141, %and3A_148 : vector<4x256xi32>
    %bitcast_convert_type3A_150 = tpu.bitcast %and3A_149 : vector<4x256xi32> -> vector<4x256xf32>
    %add3A_151 = arith.addf %broadcast_in_dim3A_138, %bitcast_convert_type3A_150 : vector<4x256xf32>
    %slice3A_152 = vector.extract_strided_slice %get3A_134 {offsets = [1, 0, 0], sizes = [1, 4, 256], strides = [1, 1, 1]} : vector<4x4x256xf32> to vector<1x4x256xf32>
    %squeeze3A_153 = vector.shape_cast %slice3A_152 : vector<1x4x256xf32> to vector<4x256xf32>
    %bitcast_convert_type3A_154 = tpu.bitcast %squeeze3A_153 : vector<4x256xf32> -> vector<4x256xi32>
    %shift_left3A_155 = arith.constant 16 : i32
    %shift_left3A_156 = vector.broadcast %shift_left3A_155 : i32 to vector<4x256xi32>
    %shift_left3A_157 = arith.shli %bitcast_convert_type3A_154, %shift_left3A_156 : vector<4x256xi32>
    %bitcast_convert_type3A_158 = tpu.bitcast %shift_left3A_157 : vector<4x256xi32> -> vector<4x256xf32>
    %add3A_159 = arith.addf %add3A_146, %bitcast_convert_type3A_158 : vector<4x256xf32>
    %and3A_160 = arith.constant -65536 : i32
    %and3A_161 = vector.broadcast %and3A_160 : i32 to vector<4x256xi32>
    %and3A_162 = arith.andi %bitcast_convert_type3A_154, %and3A_161 : vector<4x256xi32>
    %bitcast_convert_type3A_163 = tpu.bitcast %and3A_162 : vector<4x256xi32> -> vector<4x256xf32>
    %add3A_164 = arith.addf %add3A_151, %bitcast_convert_type3A_163 : vector<4x256xf32>
    %slice3A_165 = vector.extract_strided_slice %get3A_134 {offsets = [2, 0, 0], sizes = [1, 4, 256], strides = [1, 1, 1]} : vector<4x4x256xf32> to vector<1x4x256xf32>
    %squeeze3A_166 = vector.shape_cast %slice3A_165 : vector<1x4x256xf32> to vector<4x256xf32>
    %bitcast_convert_type3A_167 = tpu.bitcast %squeeze3A_166 : vector<4x256xf32> -> vector<4x256xi32>
    %shift_left3A_168 = arith.constant 16 : i32
    %shift_left3A_169 = vector.broadcast %shift_left3A_168 : i32 to vector<4x256xi32>
    %shift_left3A_170 = arith.shli %bitcast_convert_type3A_167, %shift_left3A_169 : vector<4x256xi32>
    %bitcast_convert_type3A_171 = tpu.bitcast %shift_left3A_170 : vector<4x256xi32> -> vector<4x256xf32>
    %add3A_172 = arith.addf %add3A_159, %bitcast_convert_type3A_171 : vector<4x256xf32>
    %and3A_173 = arith.constant -65536 : i32
    %and3A_174 = vector.broadcast %and3A_173 : i32 to vector<4x256xi32>
    %and3A_175 = arith.andi %bitcast_convert_type3A_167, %and3A_174 : vector<4x256xi32>
    %bitcast_convert_type3A_176 = tpu.bitcast %and3A_175 : vector<4x256xi32> -> vector<4x256xf32>
    %add3A_177 = arith.addf %add3A_164, %bitcast_convert_type3A_176 : vector<4x256xf32>
    %slice3A_178 = vector.extract_strided_slice %get3A_134 {offsets = [3, 0, 0], sizes = [1, 4, 256], strides = [1, 1, 1]} : vector<4x4x256xf32> to vector<1x4x256xf32>
    %squeeze3A_179 = vector.shape_cast %slice3A_178 : vector<1x4x256xf32> to vector<4x256xf32>
    %bitcast_convert_type3A_180 = tpu.bitcast %squeeze3A_179 : vector<4x256xf32> -> vector<4x256xi32>
    %shift_left3A_181 = arith.constant 16 : i32
    %shift_left3A_182 = vector.broadcast %shift_left3A_181 : i32 to vector<4x256xi32>
    %shift_left3A_183 = arith.shli %bitcast_convert_type3A_180, %shift_left3A_182 : vector<4x256xi32>
    %bitcast_convert_type3A_184 = tpu.bitcast %shift_left3A_183 : vector<4x256xi32> -> vector<4x256xf32>
    %add3A_185 = arith.addf %add3A_172, %bitcast_convert_type3A_184 : vector<4x256xf32>
    %and3A_186 = arith.constant -65536 : i32
    %and3A_187 = vector.broadcast %and3A_186 : i32 to vector<4x256xi32>
    %and3A_188 = arith.andi %bitcast_convert_type3A_180, %and3A_187 : vector<4x256xi32>
    %bitcast_convert_type3A_189 = tpu.bitcast %and3A_188 : vector<4x256xi32> -> vector<4x256xf32>
    %add3A_190 = arith.addf %add3A_177, %bitcast_convert_type3A_189 : vector<4x256xf32>
    %concatenate3A_191 = tpu.concatenate %add3A_185, %add3A_190 in 1 : vector<4x256xf32>, vector<4x256xf32> -> vector<4x512xf32>
    %add3A_192 = vector.broadcast %get3A_1 : vector<1x512xf32> to vector<4x512xf32>
    %add3A_193 = arith.addf %concatenate3A_191, %add3A_192 : vector<4x512xf32>
    %max3A_194 = arith.constant 0.000000e+00 : f32
    %max3A_195 = vector.broadcast %max3A_194 : f32 to vector<4x512xf32>
    %max3A_196 = arith.maximumf %add3A_193, %max3A_195 : vector<4x512xf32>
    %concatenate3A_197 = tpu.concatenate %max3A_60, %max3A_128, %max3A_196 in 0 : vector<4x512xf32>, vector<512x512xf32>, vector<4x512xf32> -> vector<520x512xf32>
    %get3A_198 = arith.constant 0 : index
    %get3A_199 = arith.constant 0 : index
    %get3A_200 = vector.load %arg6[%get3A_198, %get3A_199] : memref<512x1024xf32, #tpu.memory_space<vmem>>, vector<512x1024xf32>
    %dot_general3A = arith.constant dense<0.000000e+00> : vector<520x1024xf32>
    %dot_general3A_201 = tpu.matmul %concatenate3A_197, %get3A_200, %dot_general3A {dimension_numbers = #tpu.dot_dimension_numbers<[1], [0], [0], [1], [0, 0, 1, 1], [], []>, transpose_lhs_hint = false} : vector<520x512xf32>, vector<512x1024xf32>, vector<520x1024xf32> -> vector<520x1024xf32>
    %get3A_202 = arith.constant 0 : index
    %get3A_203 = arith.constant 0 : index
    %get3A_204 = vector.load %arg8[%get3A_202, %get3A_203] : memref<1x1024xf32, #tpu.memory_space<vmem>>, vector<1x1024xf32>
    %add3A_205 = vector.broadcast %get3A_204 : vector<1x1024xf32> to vector<520x1024xf32>
    %add3A_206 = arith.addf %dot_general3A_201, %add3A_205 : vector<520x1024xf32>
    %max3A_207 = arith.constant 0.000000e+00 : f32
    %max3A_208 = vector.broadcast %max3A_207 : f32 to vector<520x1024xf32>
    %max3A_209 = arith.maximumf %add3A_206, %max3A_208 : vector<520x1024xf32>
    %sqrt3A = arith.constant 5.120000e+02 : f32
    %sqrt3A_210 = math.sqrt %sqrt3A : f32
    %get3A_211 = arith.constant 0 : index
    %get3A_212 = arith.constant 0 : index
    %get3A_213 = vector.load %arg9[%get3A_211, %get3A_212] : memref<1x1024xf32, #tpu.memory_space<vmem>>, vector<1x1024xf32>
    %get3A_214 = arith.constant 0 : index
    %get3A_215 = arith.constant 0 : index
    %get3A_216 = vector.load %arg10[%get3A_214, %get3A_215] : memref<1x1024xf32, #tpu.memory_space<vmem>>, vector<1x1024xf32>
    %iota3A = tpu.iota {dimensions = array<i32: 0>} : vector<128x136xi32>
    %iota3A_217 = tpu.iota {dimensions = array<i32: 1>} : vector<128x136xi32>
    %ge3A = arith.cmpi sge, %iota3A_217, %iota3A : vector<128x136xi32>
    %add3A_218 = arith.constant 8 : i32
    %add3A_219 = vector.broadcast %add3A_218 : i32 to vector<128x136xi32>
    %add3A_220 = arith.addi %iota3A, %add3A_219 : vector<128x136xi32>
    %le3A = arith.cmpi sle, %iota3A_217, %add3A_220 : vector<128x136xi32>
    %and3A_221 = arith.andi %ge3A, %le3A : vector<128x136xi1>
    %slice3A_222 = vector.extract_strided_slice %concatenate3A_197 {offsets = [4, 0], sizes = [128, 512], strides = [1, 1]} : vector<520x512xf32> to vector<128x512xf32>
    %slice3A_223 = vector.extract_strided_slice %concatenate3A_197 {offsets = [0, 0], sizes = [136, 512], strides = [1, 1]} : vector<520x512xf32> to vector<136x512xf32>
    %dot_general3A_224 = arith.constant dense<0.000000e+00> : vector<128x136xf32>
    %dot_general3A_225 = tpu.matmul %slice3A_222, %slice3A_223, %dot_general3A_224 {dimension_numbers = #tpu.dot_dimension_numbers<[1], [1], [0], [0], [0, 0, 1, 0], [], []>, transpose_lhs_hint = false} : vector<128x512xf32>, vector<136x512xf32>, vector<128x136xf32> -> vector<128x136xf32>
    %div3A = vector.broadcast %sqrt3A_210 : f32 to vector<128x136xf32>
    %div3A_226 = arith.divf %dot_general3A_225, %div3A : vector<128x136xf32>
    %jit3A = arith.constant 0xFF800000 : f32
    %broadcast_in_dim3A_227 = vector.broadcast %jit3A : f32 to vector<128x136xf32>
    %select_n3A = arith.select %and3A_221, %div3A_226, %broadcast_in_dim3A_227 : vector<128x136xi1>, vector<128x136xf32>
    %reduce_max3A = arith.constant dense<0xFF800000> : vector<128xf32>
    %reduce_max3A_228 = vector.multi_reduction <maximumf>, %select_n3A, %reduce_max3A [1] : vector<128x136xf32> to vector<128xf32>
    %broadcast_in_dim3A_229 = vector.shape_cast %reduce_max3A_228 : vector<128xf32> to vector<128x1xf32>
    %sub3A = vector.broadcast %broadcast_in_dim3A_229 : vector<128x1xf32> to vector<128x136xf32>
    %sub3A_230 = arith.subf %select_n3A, %sub3A : vector<128x136xf32>
    %exp3A = math.exp %sub3A_230 : vector<128x136xf32>
    %reduce_sum3A = arith.constant dense<0.000000e+00> : vector<128xf32>
    %reduce_sum3A_231 = vector.multi_reduction <add>, %exp3A, %reduce_sum3A [1] : vector<128x136xf32> to vector<128xf32>
    %broadcast_in_dim3A_232 = vector.shape_cast %reduce_sum3A_231 : vector<128xf32> to vector<128x1xf32>
    %div3A_233 = vector.broadcast %broadcast_in_dim3A_232 : vector<128x1xf32> to vector<128x136xf32>
    %div3A_234 = arith.divf %exp3A, %div3A_233 : vector<128x136xf32>
    %slice3A_235 = vector.extract_strided_slice %max3A_209 {offsets = [0, 0], sizes = [136, 1024], strides = [1, 1]} : vector<520x1024xf32> to vector<136x1024xf32>
    %dot_general3A_236 = arith.constant dense<0.000000e+00> : vector<128x1024xf32>
    %dot_general3A_237 = tpu.matmul %div3A_234, %slice3A_235, %dot_general3A_236 {dimension_numbers = #tpu.dot_dimension_numbers<[1], [0], [0], [1], [0, 0, 1, 1], [], []>, transpose_lhs_hint = false} : vector<128x136xf32>, vector<136x1024xf32>, vector<128x1024xf32> -> vector<128x1024xf32>
    %get3A_238 = arith.constant 0 : index
    %get3A_239 = arith.constant 0 : index
    %get3A_240 = arith.constant 0 : index
    %get3A_241 = vector.load %arg5[%get3A_238, %get3A_239, %get3A_240] : memref<1x512x1024xf32, #tpu.memory_space<vmem>>, vector<1x128x1024xf32>
    %get3A_242 = vector.shape_cast %get3A_241 : vector<1x128x1024xf32> to vector<128x1024xf32>
    %add3A_243 = arith.addf %dot_general3A_237, %get3A_242 : vector<128x1024xf32>
    %reduce_sum3A_244 = arith.constant dense<0.000000e+00> : vector<128xf32>
    %reduce_sum3A_245 = vector.multi_reduction <add>, %add3A_243, %reduce_sum3A_244 [1] : vector<128x1024xf32> to vector<128xf32>
    %broadcast_in_dim3A_246 = vector.shape_cast %reduce_sum3A_245 : vector<128xf32> to vector<128x1xf32>
    %div3A_247 = arith.constant 1.024000e+03 : f32
    %div3A_248 = vector.broadcast %div3A_247 : f32 to vector<128x1xf32>
    %div3A_249 = arith.divf %broadcast_in_dim3A_246, %div3A_248 : vector<128x1xf32>
    %sub3A_250 = vector.broadcast %div3A_249 : vector<128x1xf32> to vector<128x1024xf32>
    %sub3A_251 = arith.subf %add3A_243, %sub3A_250 : vector<128x1024xf32>
    %integer_pow3A = arith.mulf %sub3A_251, %sub3A_251 : vector<128x1024xf32>
    %reduce_sum3A_252 = arith.constant dense<0.000000e+00> : vector<128xf32>
    %reduce_sum3A_253 = vector.multi_reduction <add>, %integer_pow3A, %reduce_sum3A_252 [1] : vector<128x1024xf32> to vector<128xf32>
    %broadcast_in_dim3A_254 = vector.shape_cast %reduce_sum3A_253 : vector<128xf32> to vector<128x1xf32>
    %div3A_255 = arith.constant 1.024000e+03 : f32
    %div3A_256 = vector.broadcast %div3A_255 : f32 to vector<128x1xf32>
    %div3A_257 = arith.divf %broadcast_in_dim3A_254, %div3A_256 : vector<128x1xf32>
    %sub3A_258 = vector.broadcast %div3A_249 : vector<128x1xf32> to vector<128x1024xf32>
    %sub3A_259 = arith.subf %add3A_243, %sub3A_258 : vector<128x1024xf32>
    %mul3A = vector.broadcast %get3A_213 : vector<1x1024xf32> to vector<128x1024xf32>
    %mul3A_260 = arith.mulf %mul3A, %sub3A_259 : vector<128x1024xf32>
    %add3A_261 = arith.constant 1.000000e-03 : f32
    %add3A_262 = vector.broadcast %add3A_261 : f32 to vector<128x1xf32>
    %add3A_263 = arith.addf %div3A_257, %add3A_262 : vector<128x1xf32>
    %sqrt3A_264 = math.sqrt %add3A_263 : vector<128x1xf32>
    %div3A_265 = vector.broadcast %sqrt3A_264 : vector<128x1xf32> to vector<128x1024xf32>
    %div3A_266 = arith.divf %mul3A_260, %div3A_265 : vector<128x1024xf32>
    %add3A_267 = vector.broadcast %get3A_216 : vector<1x1024xf32> to vector<128x1024xf32>
    %add3A_268 = arith.addf %div3A_266, %add3A_267 : vector<128x1024xf32>
    %swap3A = arith.constant 0 : index
    %swap3A_269 = arith.constant 0 : index
    %swap3A_270 = arith.constant 0 : index
    %swap3A_271 = vector.load %arg11[%swap3A, %swap3A_269, %swap3A_270] : memref<1x512x1024xf32, #tpu.memory_space<vmem>>, vector<1x128x1024xf32>
    %swap3A_272 = vector.shape_cast %swap3A_271 : vector<1x128x1024xf32> to vector<128x1024xf32>
    %swap3A_273 = vector.shape_cast %add3A_268 : vector<128x1024xf32> to vector<1x128x1024xf32>
    tpu.vector_store %arg11[%swap3A, %swap3A_269, %swap3A_270], %swap3A_273 {strides = array<i32>} : memref<1x512x1024xf32, #tpu.memory_space<vmem>>, vector<1x128x1024xf32>,
    %slice3A_274 = vector.extract_strided_slice %concatenate3A_197 {offsets = [132, 0], sizes = [128, 512], strides = [1, 1]} : vector<520x512xf32> to vector<128x512xf32>
    %slice3A_275 = vector.extract_strided_slice %concatenate3A_197 {offsets = [128, 0], sizes = [136, 512], strides = [1, 1]} : vector<520x512xf32> to vector<136x512xf32>
    %dot_general3A_276 = arith.constant dense<0.000000e+00> : vector<128x136xf32>
    %dot_general3A_277 = tpu.matmul %slice3A_274, %slice3A_275, %dot_general3A_276 {dimension_numbers = #tpu.dot_dimension_numbers<[1], [1], [0], [0], [0, 0, 1, 0], [], []>, transpose_lhs_hint = false} : vector<128x512xf32>, vector<136x512xf32>, vector<128x136xf32> -> vector<128x136xf32>
    %div3A_278 = vector.broadcast %sqrt3A_210 : f32 to vector<128x136xf32>
    %div3A_279 = arith.divf %dot_general3A_277, %div3A_278 : vector<128x136xf32>
    %jit3A_280 = arith.constant 0xFF800000 : f32
    %broadcast_in_dim3A_281 = vector.broadcast %jit3A_280 : f32 to vector<128x136xf32>
    %select_n3A_282 = arith.select %and3A_221, %div3A_279, %broadcast_in_dim3A_281 : vector<128x136xi1>, vector<128x136xf32>
    %reduce_max3A_283 = arith.constant dense<0xFF800000> : vector<128xf32>
    %reduce_max3A_284 = vector.multi_reduction <maximumf>, %select_n3A_282, %reduce_max3A_283 [1] : vector<128x136xf32> to vector<128xf32>
    %broadcast_in_dim3A_285 = vector.shape_cast %reduce_max3A_284 : vector<128xf32> to vector<128x1xf32>
    %sub3A_286 = vector.broadcast %broadcast_in_dim3A_285 : vector<128x1xf32> to vector<128x136xf32>
    %sub3A_287 = arith.subf %select_n3A_282, %sub3A_286 : vector<128x136xf32>
    %exp3A_288 = math.exp %sub3A_287 : vector<128x136xf32>
    %reduce_sum3A_289 = arith.constant dense<0.000000e+00> : vector<128xf32>
    %reduce_sum3A_290 = vector.multi_reduction <add>, %exp3A_288, %reduce_sum3A_289 [1] : vector<128x136xf32> to vector<128xf32>
    %broadcast_in_dim3A_291 = vector.shape_cast %reduce_sum3A_290 : vector<128xf32> to vector<128x1xf32>
    %div3A_292 = vector.broadcast %broadcast_in_dim3A_291 : vector<128x1xf32> to vector<128x136xf32>
    %div3A_293 = arith.divf %exp3A_288, %div3A_292 : vector<128x136xf32>
    %slice3A_294 = vector.extract_strided_slice %max3A_209 {offsets = [128, 0], sizes = [136, 1024], strides = [1, 1]} : vector<520x1024xf32> to vector<136x1024xf32>
    %dot_general3A_295 = arith.constant dense<0.000000e+00> : vector<128x1024xf32>
    %dot_general3A_296 = tpu.matmul %div3A_293, %slice3A_294, %dot_general3A_295 {dimension_numbers = #tpu.dot_dimension_numbers<[1], [0], [0], [1], [0, 0, 1, 1], [], []>, transpose_lhs_hint = false} : vector<128x136xf32>, vector<136x1024xf32>, vector<128x1024xf32> -> vector<128x1024xf32>
    %get3A_297 = arith.constant 0 : index
    %get3A_298 = arith.constant 128 : index
    %get3A_299 = arith.constant 0 : index
    %get3A_300 = vector.load %arg5[%get3A_297, %get3A_298, %get3A_299] : memref<1x512x1024xf32, #tpu.memory_space<vmem>>, vector<1x128x1024xf32>
    %get3A_301 = vector.shape_cast %get3A_300 : vector<1x128x1024xf32> to vector<128x1024xf32>
    %add3A_302 = arith.addf %dot_general3A_296, %get3A_301 : vector<128x1024xf32>
    %reduce_sum3A_303 = arith.constant dense<0.000000e+00> : vector<128xf32>
    %reduce_sum3A_304 = vector.multi_reduction <add>, %add3A_302, %reduce_sum3A_303 [1] : vector<128x1024xf32> to vector<128xf32>
    %broadcast_in_dim3A_305 = vector.shape_cast %reduce_sum3A_304 : vector<128xf32> to vector<128x1xf32>
    %div3A_306 = arith.constant 1.024000e+03 : f32
    %div3A_307 = vector.broadcast %div3A_306 : f32 to vector<128x1xf32>
    %div3A_308 = arith.divf %broadcast_in_dim3A_305, %div3A_307 : vector<128x1xf32>
    %sub3A_309 = vector.broadcast %div3A_308 : vector<128x1xf32> to vector<128x1024xf32>
    %sub3A_310 = arith.subf %add3A_302, %sub3A_309 : vector<128x1024xf32>
    %integer_pow3A_311 = arith.mulf %sub3A_310, %sub3A_310 : vector<128x1024xf32>
    %reduce_sum3A_312 = arith.constant dense<0.000000e+00> : vector<128xf32>
    %reduce_sum3A_313 = vector.multi_reduction <add>, %integer_pow3A_311, %reduce_sum3A_312 [1] : vector<128x1024xf32> to vector<128xf32>
    %broadcast_in_dim3A_314 = vector.shape_cast %reduce_sum3A_313 : vector<128xf32> to vector<128x1xf32>
    %div3A_315 = arith.constant 1.024000e+03 : f32
    %div3A_316 = vector.broadcast %div3A_315 : f32 to vector<128x1xf32>
    %div3A_317 = arith.divf %broadcast_in_dim3A_314, %div3A_316 : vector<128x1xf32>
    %sub3A_318 = vector.broadcast %div3A_308 : vector<128x1xf32> to vector<128x1024xf32>
    %sub3A_319 = arith.subf %add3A_302, %sub3A_318 : vector<128x1024xf32>
    %mul3A_320 = vector.broadcast %get3A_213 : vector<1x1024xf32> to vector<128x1024xf32>
    %mul3A_321 = arith.mulf %mul3A_320, %sub3A_319 : vector<128x1024xf32>
    %add3A_322 = arith.constant 1.000000e-03 : f32
    %add3A_323 = vector.broadcast %add3A_322 : f32 to vector<128x1xf32>
    %add3A_324 = arith.addf %div3A_317, %add3A_323 : vector<128x1xf32>
    %sqrt3A_325 = math.sqrt %add3A_324 : vector<128x1xf32>
    %div3A_326 = vector.broadcast %sqrt3A_325 : vector<128x1xf32> to vector<128x1024xf32>
    %div3A_327 = arith.divf %mul3A_321, %div3A_326 : vector<128x1024xf32>
    %add3A_328 = vector.broadcast %get3A_216 : vector<1x1024xf32> to vector<128x1024xf32>
    %add3A_329 = arith.addf %div3A_327, %add3A_328 : vector<128x1024xf32>
    %swap3A_330 = arith.constant 0 : index
    %swap3A_331 = arith.constant 128 : index
    %swap3A_332 = arith.constant 0 : index
    %swap3A_333 = vector.load %arg11[%swap3A_330, %swap3A_331, %swap3A_332] : memref<1x512x1024xf32, #tpu.memory_space<vmem>>, vector<1x128x1024xf32>
    %swap3A_334 = vector.shape_cast %swap3A_333 : vector<1x128x1024xf32> to vector<128x1024xf32>
    %swap3A_335 = vector.shape_cast %add3A_329 : vector<128x1024xf32> to vector<1x128x1024xf32>
    tpu.vector_store %arg11[%swap3A_330, %swap3A_331, %swap3A_332], %swap3A_335 {strides = array<i32>} : memref<1x512x1024xf32, #tpu.memory_space<vmem>>, vector<1x128x1024xf32>,
    %slice3A_336 = vector.extract_strided_slice %concatenate3A_197 {offsets = [260, 0], sizes = [128, 512], strides = [1, 1]} : vector<520x512xf32> to vector<128x512xf32>
    %slice3A_337 = vector.extract_strided_slice %concatenate3A_197 {offsets = [256, 0], sizes = [136, 512], strides = [1, 1]} : vector<520x512xf32> to vector<136x512xf32>
    %dot_general3A_338 = arith.constant dense<0.000000e+00> : vector<128x136xf32>
    %dot_general3A_339 = tpu.matmul %slice3A_336, %slice3A_337, %dot_general3A_338 {dimension_numbers = #tpu.dot_dimension_numbers<[1], [1], [0], [0], [0, 0, 1, 0], [], []>, transpose_lhs_hint = false} : vector<128x512xf32>, vector<136x512xf32>, vector<128x136xf32> -> vector<128x136xf32>
    %div3A_340 = vector.broadcast %sqrt3A_210 : f32 to vector<128x136xf32>
    %div3A_341 = arith.divf %dot_general3A_339, %div3A_340 : vector<128x136xf32>
    %jit3A_342 = arith.constant 0xFF800000 : f32
    %broadcast_in_dim3A_343 = vector.broadcast %jit3A_342 : f32 to vector<128x136xf32>
    %select_n3A_344 = arith.select %and3A_221, %div3A_341, %broadcast_in_dim3A_343 : vector<128x136xi1>, vector<128x136xf32>
    %reduce_max3A_345 = arith.constant dense<0xFF800000> : vector<128xf32>
    %reduce_max3A_346 = vector.multi_reduction <maximumf>, %select_n3A_344, %reduce_max3A_345 [1] : vector<128x136xf32> to vector<128xf32>
    %broadcast_in_dim3A_347 = vector.shape_cast %reduce_max3A_346 : vector<128xf32> to vector<128x1xf32>
    %sub3A_348 = vector.broadcast %broadcast_in_dim3A_347 : vector<128x1xf32> to vector<128x136xf32>
    %sub3A_349 = arith.subf %select_n3A_344, %sub3A_348 : vector<128x136xf32>
    %exp3A_350 = math.exp %sub3A_349 : vector<128x136xf32>
    %reduce_sum3A_351 = arith.constant dense<0.000000e+00> : vector<128xf32>
    %reduce_sum3A_352 = vector.multi_reduction <add>, %exp3A_350, %reduce_sum3A_351 [1] : vector<128x136xf32> to vector<128xf32>
    %broadcast_in_dim3A_353 = vector.shape_cast %reduce_sum3A_352 : vector<128xf32> to vector<128x1xf32>
    %div3A_354 = vector.broadcast %broadcast_in_dim3A_353 : vector<128x1xf32> to vector<128x136xf32>
    %div3A_355 = arith.divf %exp3A_350, %div3A_354 : vector<128x136xf32>
    %slice3A_356 = vector.extract_strided_slice %max3A_209 {offsets = [256, 0], sizes = [136, 1024], strides = [1, 1]} : vector<520x1024xf32> to vector<136x1024xf32>
    %dot_general3A_357 = arith.constant dense<0.000000e+00> : vector<128x1024xf32>
    %dot_general3A_358 = tpu.matmul %div3A_355, %slice3A_356, %dot_general3A_357 {dimension_numbers = #tpu.dot_dimension_numbers<[1], [0], [0], [1], [0, 0, 1, 1], [], []>, transpose_lhs_hint = false} : vector<128x136xf32>, vector<136x1024xf32>, vector<128x1024xf32> -> vector<128x1024xf32>
    %get3A_359 = arith.constant 0 : index
    %get3A_360 = arith.constant 256 : index
    %get3A_361 = arith.constant 0 : index
    %get3A_362 = vector.load %arg5[%get3A_359, %get3A_360, %get3A_361] : memref<1x512x1024xf32, #tpu.memory_space<vmem>>, vector<1x128x1024xf32>
    %get3A_363 = vector.shape_cast %get3A_362 : vector<1x128x1024xf32> to vector<128x1024xf32>
    %add3A_364 = arith.addf %dot_general3A_358, %get3A_363 : vector<128x1024xf32>
    %reduce_sum3A_365 = arith.constant dense<0.000000e+00> : vector<128xf32>
    %reduce_sum3A_366 = vector.multi_reduction <add>, %add3A_364, %reduce_sum3A_365 [1] : vector<128x1024xf32> to vector<128xf32>
    %broadcast_in_dim3A_367 = vector.shape_cast %reduce_sum3A_366 : vector<128xf32> to vector<128x1xf32>
    %div3A_368 = arith.constant 1.024000e+03 : f32
    %div3A_369 = vector.broadcast %div3A_368 : f32 to vector<128x1xf32>
    %div3A_370 = arith.divf %broadcast_in_dim3A_367, %div3A_369 : vector<128x1xf32>
    %sub3A_371 = vector.broadcast %div3A_370 : vector<128x1xf32> to vector<128x1024xf32>
    %sub3A_372 = arith.subf %add3A_364, %sub3A_371 : vector<128x1024xf32>
    %integer_pow3A_373 = arith.mulf %sub3A_372, %sub3A_372 : vector<128x1024xf32>
    %reduce_sum3A_374 = arith.constant dense<0.000000e+00> : vector<128xf32>
    %reduce_sum3A_375 = vector.multi_reduction <add>, %integer_pow3A_373, %reduce_sum3A_374 [1] : vector<128x1024xf32> to vector<128xf32>
    %broadcast_in_dim3A_376 = vector.shape_cast %reduce_sum3A_375 : vector<128xf32> to vector<128x1xf32>
    %div3A_377 = arith.constant 1.024000e+03 : f32
    %div3A_378 = vector.broadcast %div3A_377 : f32 to vector<128x1xf32>
    %div3A_379 = arith.divf %broadcast_in_dim3A_376, %div3A_378 : vector<128x1xf32>
    %sub3A_380 = vector.broadcast %div3A_370 : vector<128x1xf32> to vector<128x1024xf32>
    %sub3A_381 = arith.subf %add3A_364, %sub3A_380 : vector<128x1024xf32>
    %mul3A_382 = vector.broadcast %get3A_213 : vector<1x1024xf32> to vector<128x1024xf32>
    %mul3A_383 = arith.mulf %mul3A_382, %sub3A_381 : vector<128x1024xf32>
    %add3A_384 = arith.constant 1.000000e-03 : f32
    %add3A_385 = vector.broadcast %add3A_384 : f32 to vector<128x1xf32>
    %add3A_386 = arith.addf %div3A_379, %add3A_385 : vector<128x1xf32>
    %sqrt3A_387 = math.sqrt %add3A_386 : vector<128x1xf32>
    %div3A_388 = vector.broadcast %sqrt3A_387 : vector<128x1xf32> to vector<128x1024xf32>
    %div3A_389 = arith.divf %mul3A_383, %div3A_388 : vector<128x1024xf32>
    %add3A_390 = vector.broadcast %get3A_216 : vector<1x1024xf32> to vector<128x1024xf32>
    %add3A_391 = arith.addf %div3A_389, %add3A_390 : vector<128x1024xf32>
    %swap3A_392 = arith.constant 0 : index
    %swap3A_393 = arith.constant 256 : index
    %swap3A_394 = arith.constant 0 : index
    %swap3A_395 = vector.load %arg11[%swap3A_392, %swap3A_393, %swap3A_394] : memref<1x512x1024xf32, #tpu.memory_space<vmem>>, vector<1x128x1024xf32>
    %swap3A_396 = vector.shape_cast %swap3A_395 : vector<1x128x1024xf32> to vector<128x1024xf32>
    %swap3A_397 = vector.shape_cast %add3A_391 : vector<128x1024xf32> to vector<1x128x1024xf32>
    tpu.vector_store %arg11[%swap3A_392, %swap3A_393, %swap3A_394], %swap3A_397 {strides = array<i32>} : memref<1x512x1024xf32, #tpu.memory_space<vmem>>, vector<1x128x1024xf32>,
    %slice3A_398 = vector.extract_strided_slice %concatenate3A_197 {offsets = [388, 0], sizes = [128, 512], strides = [1, 1]} : vector<520x512xf32> to vector<128x512xf32>
    %slice3A_399 = vector.extract_strided_slice %concatenate3A_197 {offsets = [384, 0], sizes = [136, 512], strides = [1, 1]} : vector<520x512xf32> to vector<136x512xf32>
    %dot_general3A_400 = arith.constant dense<0.000000e+00> : vector<128x136xf32>
    %dot_general3A_401 = tpu.matmul %slice3A_398, %slice3A_399, %dot_general3A_400 {dimension_numbers = #tpu.dot_dimension_numbers<[1], [1], [0], [0], [0, 0, 1, 0], [], []>, transpose_lhs_hint = false} : vector<128x512xf32>, vector<136x512xf32>, vector<128x136xf32> -> vector<128x136xf32>
    %div3A_402 = vector.broadcast %sqrt3A_210 : f32 to vector<128x136xf32>
    %div3A_403 = arith.divf %dot_general3A_401, %div3A_402 : vector<128x136xf32>
    %jit3A_404 = arith.constant 0xFF800000 : f32
    %broadcast_in_dim3A_405 = vector.broadcast %jit3A_404 : f32 to vector<128x136xf32>
    %select_n3A_406 = arith.select %and3A_221, %div3A_403, %broadcast_in_dim3A_405 : vector<128x136xi1>, vector<128x136xf32>
    %reduce_max3A_407 = arith.constant dense<0xFF800000> : vector<128xf32>
    %reduce_max3A_408 = vector.multi_reduction <maximumf>, %select_n3A_406, %reduce_max3A_407 [1] : vector<128x136xf32> to vector<128xf32>
    %broadcast_in_dim3A_409 = vector.shape_cast %reduce_max3A_408 : vector<128xf32> to vector<128x1xf32>
    %sub3A_410 = vector.broadcast %broadcast_in_dim3A_409 : vector<128x1xf32> to vector<128x136xf32>
    %sub3A_411 = arith.subf %select_n3A_406, %sub3A_410 : vector<128x136xf32>
    %exp3A_412 = math.exp %sub3A_411 : vector<128x136xf32>
    %reduce_sum3A_413 = arith.constant dense<0.000000e+00> : vector<128xf32>
    %reduce_sum3A_414 = vector.multi_reduction <add>, %exp3A_412, %reduce_sum3A_413 [1] : vector<128x136xf32> to vector<128xf32>
    %broadcast_in_dim3A_415 = vector.shape_cast %reduce_sum3A_414 : vector<128xf32> to vector<128x1xf32>
    %div3A_416 = vector.broadcast %broadcast_in_dim3A_415 : vector<128x1xf32> to vector<128x136xf32>
    %div3A_417 = arith.divf %exp3A_412, %div3A_416 : vector<128x136xf32>
    %slice3A_418 = vector.extract_strided_slice %max3A_209 {offsets = [384, 0], sizes = [136, 1024], strides = [1, 1]} : vector<520x1024xf32> to vector<136x1024xf32>
    %dot_general3A_419 = arith.constant dense<0.000000e+00> : vector<128x1024xf32>
    %dot_general3A_420 = tpu.matmul %div3A_417, %slice3A_418, %dot_general3A_419 {dimension_numbers = #tpu.dot_dimension_numbers<[1], [0], [0], [1], [0, 0, 1, 1], [], []>, transpose_lhs_hint = false} : vector<128x136xf32>, vector<136x1024xf32>, vector<128x1024xf32> -> vector<128x1024xf32>
    %get3A_421 = arith.constant 0 : index
    %get3A_422 = arith.constant 384 : index
    %get3A_423 = arith.constant 0 : index
    %get3A_424 = vector.load %arg5[%get3A_421, %get3A_422, %get3A_423] : memref<1x512x1024xf32, #tpu.memory_space<vmem>>, vector<1x128x1024xf32>
    %get3A_425 = vector.shape_cast %get3A_424 : vector<1x128x1024xf32> to vector<128x1024xf32>
    %add3A_426 = arith.addf %dot_general3A_420, %get3A_425 : vector<128x1024xf32>
    %reduce_sum3A_427 = arith.constant dense<0.000000e+00> : vector<128xf32>
    %reduce_sum3A_428 = vector.multi_reduction <add>, %add3A_426, %reduce_sum3A_427 [1] : vector<128x1024xf32> to vector<128xf32>
    %broadcast_in_dim3A_429 = vector.shape_cast %reduce_sum3A_428 : vector<128xf32> to vector<128x1xf32>
    %div3A_430 = arith.constant 1.024000e+03 : f32
    %div3A_431 = vector.broadcast %div3A_430 : f32 to vector<128x1xf32>
    %div3A_432 = arith.divf %broadcast_in_dim3A_429, %div3A_431 : vector<128x1xf32>
    %sub3A_433 = vector.broadcast %div3A_432 : vector<128x1xf32> to vector<128x1024xf32>
    %sub3A_434 = arith.subf %add3A_426, %sub3A_433 : vector<128x1024xf32>
    %integer_pow3A_435 = arith.mulf %sub3A_434, %sub3A_434 : vector<128x1024xf32>
    %reduce_sum3A_436 = arith.constant dense<0.000000e+00> : vector<128xf32>
    %reduce_sum3A_437 = vector.multi_reduction <add>, %integer_pow3A_435, %reduce_sum3A_436 [1] : vector<128x1024xf32> to vector<128xf32>
    %broadcast_in_dim3A_438 = vector.shape_cast %reduce_sum3A_437 : vector<128xf32> to vector<128x1xf32>
    %div3A_439 = arith.constant 1.024000e+03 : f32
    %div3A_440 = vector.broadcast %div3A_439 : f32 to vector<128x1xf32>
    %div3A_441 = arith.divf %broadcast_in_dim3A_438, %div3A_440 : vector<128x1xf32>
    %sub3A_442 = vector.broadcast %div3A_432 : vector<128x1xf32> to vector<128x1024xf32>
    %sub3A_443 = arith.subf %add3A_426, %sub3A_442 : vector<128x1024xf32>
    %mul3A_444 = vector.broadcast %get3A_213 : vector<1x1024xf32> to vector<128x1024xf32>
    %mul3A_445 = arith.mulf %mul3A_444, %sub3A_443 : vector<128x1024xf32>
    %add3A_446 = arith.constant 1.000000e-03 : f32
    %add3A_447 = vector.broadcast %add3A_446 : f32 to vector<128x1xf32>
    %add3A_448 = arith.addf %div3A_441, %add3A_447 : vector<128x1xf32>
    %sqrt3A_449 = math.sqrt %add3A_448 : vector<128x1xf32>
    %div3A_450 = vector.broadcast %sqrt3A_449 : vector<128x1xf32> to vector<128x1024xf32>
    %div3A_451 = arith.divf %mul3A_445, %div3A_450 : vector<128x1024xf32>
    %add3A_452 = vector.broadcast %get3A_216 : vector<1x1024xf32> to vector<128x1024xf32>
    %add3A_453 = arith.addf %div3A_451, %add3A_452 : vector<128x1024xf32>
    %swap3A_454 = arith.constant 0 : index
    %swap3A_455 = arith.constant 384 : index
    %swap3A_456 = arith.constant 0 : index
    %swap3A_457 = vector.load %arg11[%swap3A_454, %swap3A_455, %swap3A_456] : memref<1x512x1024xf32, #tpu.memory_space<vmem>>, vector<1x128x1024xf32>
    %swap3A_458 = vector.shape_cast %swap3A_457 : vector<1x128x1024xf32> to vector<128x1024xf32>
    %swap3A_459 = vector.shape_cast %add3A_453 : vector<128x1024xf32> to vector<1x128x1024xf32>
    tpu.vector_store %arg11[%swap3A_454, %swap3A_455, %swap3A_456], %swap3A_459 {strides = array<i32>} : memref<1x512x1024xf32, #tpu.memory_space<vmem>>, vector<1x128x1024xf32>,
    %eq3A = arith.constant 0 : i32
    %eq3A_460 = arith.cmpi eq, %arg1, %eq3A : i32
    %convert_element_type3A = arith.extui %eq3A_460 : i1 to i32
    %cond3A = arith.constant 0 : i32
    %cond3A_461 = arith.cmpi ne, %convert_element_type3A, %cond3A : i32
    scf.if %cond3A_461 {
      %slice3A_467 = vector.extract_strided_slice %concatenate3A_197 {offsets = [4, 0], sizes = [4, 512], strides = [1, 1]} : vector<520x512xf32> to vector<4x512xf32>
      %slice3A_468 = vector.extract_strided_slice %concatenate3A_197 {offsets = [4, 0], sizes = [9, 512], strides = [1, 1]} : vector<520x512xf32> to vector<9x512xf32>
      %dot_general3A_469 = arith.constant dense<0.000000e+00> : vector<4x9xf32>
      %dot_general3A_470 = tpu.matmul %slice3A_467, %slice3A_468, %dot_general3A_469 {dimension_numbers = #tpu.dot_dimension_numbers<[1], [1], [0], [0], [0, 0, 1, 0], [], []>, transpose_lhs_hint = false} : vector<4x512xf32>, vector<9x512xf32>, vector<4x9xf32> -> vector<4x9xf32>
      %div3A_471 = vector.broadcast %sqrt3A_210 : f32 to vector<4x9xf32>
      %div3A_472 = arith.divf %dot_general3A_470, %div3A_471 : vector<4x9xf32>
      %reduce_max3A_473 = arith.constant dense<0xFF800000> : vector<4xf32>
      %reduce_max3A_474 = vector.multi_reduction <maximumf>, %div3A_472, %reduce_max3A_473 [1] : vector<4x9xf32> to vector<4xf32>
      %broadcast_in_dim3A_475 = vector.shape_cast %reduce_max3A_474 : vector<4xf32> to vector<4x1xf32>
      %sub3A_476 = vector.broadcast %broadcast_in_dim3A_475 : vector<4x1xf32> to vector<4x9xf32>
      %sub3A_477 = arith.subf %div3A_472, %sub3A_476 : vector<4x9xf32>
      %exp3A_478 = math.exp %sub3A_477 : vector<4x9xf32>
      %reduce_sum3A_479 = arith.constant dense<0.000000e+00> : vector<4xf32>
      %reduce_sum3A_480 = vector.multi_reduction <add>, %exp3A_478, %reduce_sum3A_479 [1] : vector<4x9xf32> to vector<4xf32>
      %broadcast_in_dim3A_481 = vector.shape_cast %reduce_sum3A_480 : vector<4xf32> to vector<4x1xf32>
      %div3A_482 = vector.broadcast %broadcast_in_dim3A_481 : vector<4x1xf32> to vector<4x9xf32>
      %div3A_483 = arith.divf %exp3A_478, %div3A_482 : vector<4x9xf32>
      %slice3A_484 = vector.extract_strided_slice %max3A_209 {offsets = [4, 0], sizes = [9, 1024], strides = [1, 1]} : vector<520x1024xf32> to vector<9x1024xf32>
      %dot_general3A_485 = arith.constant dense<0.000000e+00> : vector<4x1024xf32>
      %dot_general3A_486 = tpu.matmul %div3A_483, %slice3A_484, %dot_general3A_485 {dimension_numbers = #tpu.dot_dimension_numbers<[1], [0], [0], [1], [0, 0, 1, 1], [], []>, transpose_lhs_hint = false} : vector<4x9xf32>, vector<9x1024xf32>, vector<4x1024xf32> -> vector<4x1024xf32>
      %get3A_487 = arith.constant 0 : index
      %get3A_488 = arith.constant 0 : index
      %get3A_489 = arith.constant 0 : index
      %get3A_490 = vector.load %arg5[%get3A_487, %get3A_488, %get3A_489] : memref<1x512x1024xf32, #tpu.memory_space<vmem>>, vector<1x4x1024xf32>
      %get3A_491 = vector.shape_cast %get3A_490 : vector<1x4x1024xf32> to vector<4x1024xf32>
      %add3A_492 = arith.addf %dot_general3A_486, %get3A_491 : vector<4x1024xf32>
      %reduce_sum3A_493 = arith.constant dense<0.000000e+00> : vector<4xf32>
      %reduce_sum3A_494 = vector.multi_reduction <add>, %add3A_492, %reduce_sum3A_493 [1] : vector<4x1024xf32> to vector<4xf32>
      %broadcast_in_dim3A_495 = vector.shape_cast %reduce_sum3A_494 : vector<4xf32> to vector<4x1xf32>
      %div3A_496 = arith.constant 1.024000e+03 : f32
      %div3A_497 = vector.broadcast %div3A_496 : f32 to vector<4x1xf32>
      %div3A_498 = arith.divf %broadcast_in_dim3A_495, %div3A_497 : vector<4x1xf32>
      %sub3A_499 = vector.broadcast %div3A_498 : vector<4x1xf32> to vector<4x1024xf32>
      %sub3A_500 = arith.subf %add3A_492, %sub3A_499 : vector<4x1024xf32>
      %integer_pow3A_501 = arith.mulf %sub3A_500, %sub3A_500 : vector<4x1024xf32>
      %reduce_sum3A_502 = arith.constant dense<0.000000e+00> : vector<4xf32>
      %reduce_sum3A_503 = vector.multi_reduction <add>, %integer_pow3A_501, %reduce_sum3A_502 [1] : vector<4x1024xf32> to vector<4xf32>
      %broadcast_in_dim3A_504 = vector.shape_cast %reduce_sum3A_503 : vector<4xf32> to vector<4x1xf32>
      %div3A_505 = arith.constant 1.024000e+03 : f32
      %div3A_506 = vector.broadcast %div3A_505 : f32 to vector<4x1xf32>
      %div3A_507 = arith.divf %broadcast_in_dim3A_504, %div3A_506 : vector<4x1xf32>
      %sub3A_508 = vector.broadcast %div3A_498 : vector<4x1xf32> to vector<4x1024xf32>
      %sub3A_509 = arith.subf %add3A_492, %sub3A_508 : vector<4x1024xf32>
      %mul3A_510 = vector.broadcast %get3A_213 : vector<1x1024xf32> to vector<4x1024xf32>
      %mul3A_511 = arith.mulf %mul3A_510, %sub3A_509 : vector<4x1024xf32>
      %add3A_512 = arith.constant 1.000000e-03 : f32
      %add3A_513 = vector.broadcast %add3A_512 : f32 to vector<4x1xf32>
      %add3A_514 = arith.addf %div3A_507, %add3A_513 : vector<4x1xf32>
      %sqrt3A_515 = math.sqrt %add3A_514 : vector<4x1xf32>
      %div3A_516 = vector.broadcast %sqrt3A_515 : vector<4x1xf32> to vector<4x1024xf32>
      %div3A_517 = arith.divf %mul3A_511, %div3A_516 : vector<4x1024xf32>
      %add3A_518 = vector.broadcast %get3A_216 : vector<1x1024xf32> to vector<4x1024xf32>
      %add3A_519 = arith.addf %div3A_517, %add3A_518 : vector<4x1024xf32>
      %swap3A_520 = arith.constant 0 : index
      %swap3A_521 = arith.constant 0 : index
      %swap3A_522 = arith.constant 0 : index
      %swap3A_523 = vector.load %arg11[%swap3A_520, %swap3A_521, %swap3A_522] : memref<1x512x1024xf32, #tpu.memory_space<vmem>>, vector<1x4x1024xf32>
      %swap3A_524 = vector.shape_cast %swap3A_523 : vector<1x4x1024xf32> to vector<4x1024xf32>
      %swap3A_525 = vector.shape_cast %add3A_519 : vector<4x1024xf32> to vector<1x4x1024xf32>
      tpu.vector_store %arg11[%swap3A_520, %swap3A_521, %swap3A_522], %swap3A_525 {strides = array<i32>} : memref<1x512x1024xf32, #tpu.memory_space<vmem>>, vector<1x4x1024xf32>,
    } else {
    }
    %eq3A_462 = arith.constant 3 : i32
    %eq3A_463 = arith.cmpi eq, %arg1, %eq3A_462 : i32
    %convert_element_type3A_464 = arith.extui %eq3A_463 : i1 to i32
    %cond3A_465 = arith.constant 0 : i32
    %cond3A_466 = arith.cmpi ne, %convert_element_type3A_464, %cond3A_465 : i32
    scf.if %cond3A_466 {
      %slice3A_467 = vector.extract_strided_slice %concatenate3A_197 {offsets = [512, 0], sizes = [4, 512], strides = [1, 1]} : vector<520x512xf32> to vector<4x512xf32>
      %slice3A_468 = vector.extract_strided_slice %concatenate3A_197 {offsets = [507, 0], sizes = [9, 512], strides = [1, 1]} : vector<520x512xf32> to vector<9x512xf32>
      %dot_general3A_469 = arith.constant dense<0.000000e+00> : vector<4x9xf32>
      %dot_general3A_470 = tpu.matmul %slice3A_467, %slice3A_468, %dot_general3A_469 {dimension_numbers = #tpu.dot_dimension_numbers<[1], [1], [0], [0], [0, 0, 1, 0], [], []>, transpose_lhs_hint = false} : vector<4x512xf32>, vector<9x512xf32>, vector<4x9xf32> -> vector<4x9xf32>
      %div3A_471 = vector.broadcast %sqrt3A_210 : f32 to vector<4x9xf32>
      %div3A_472 = arith.divf %dot_general3A_470, %div3A_471 : vector<4x9xf32>
      %reduce_max3A_473 = arith.constant dense<0xFF800000> : vector<4xf32>
      %reduce_max3A_474 = vector.multi_reduction <maximumf>, %div3A_472, %reduce_max3A_473 [1] : vector<4x9xf32> to vector<4xf32>
      %broadcast_in_dim3A_475 = vector.shape_cast %reduce_max3A_474 : vector<4xf32> to vector<4x1xf32>
      %sub3A_476 = vector.broadcast %broadcast_in_dim3A_475 : vector<4x1xf32> to vector<4x9xf32>
      %sub3A_477 = arith.subf %div3A_472, %sub3A_476 : vector<4x9xf32>
      %exp3A_478 = math.exp %sub3A_477 : vector<4x9xf32>
      %reduce_sum3A_479 = arith.constant dense<0.000000e+00> : vector<4xf32>
      %reduce_sum3A_480 = vector.multi_reduction <add>, %exp3A_478, %reduce_sum3A_479 [1] : vector<4x9xf32> to vector<4xf32>
      %broadcast_in_dim3A_481 = vector.shape_cast %reduce_sum3A_480 : vector<4xf32> to vector<4x1xf32>
      %div3A_482 = vector.broadcast %broadcast_in_dim3A_481 : vector<4x1xf32> to vector<4x9xf32>
      %div3A_483 = arith.divf %exp3A_478, %div3A_482 : vector<4x9xf32>
      %slice3A_484 = vector.extract_strided_slice %max3A_209 {offsets = [507, 0], sizes = [9, 1024], strides = [1, 1]} : vector<520x1024xf32> to vector<9x1024xf32>
      %dot_general3A_485 = arith.constant dense<0.000000e+00> : vector<4x1024xf32>
      %dot_general3A_486 = tpu.matmul %div3A_483, %slice3A_484, %dot_general3A_485 {dimension_numbers = #tpu.dot_dimension_numbers<[1], [0], [0], [1], [0, 0, 1, 1], [], []>, transpose_lhs_hint = false} : vector<4x9xf32>, vector<9x1024xf32>, vector<4x1024xf32> -> vector<4x1024xf32>
      %get3A_487 = arith.constant 0 : index
      %get3A_488 = arith.constant 508 : index
      %get3A_489 = arith.constant 0 : index
      %get3A_490 = vector.load %arg5[%get3A_487, %get3A_488, %get3A_489] : memref<1x512x1024xf32, #tpu.memory_space<vmem>>, vector<1x4x1024xf32>
      %get3A_491 = vector.shape_cast %get3A_490 : vector<1x4x1024xf32> to vector<4x1024xf32>
      %add3A_492 = arith.addf %dot_general3A_486, %get3A_491 : vector<4x1024xf32>
      %reduce_sum3A_493 = arith.constant dense<0.000000e+00> : vector<4xf32>
      %reduce_sum3A_494 = vector.multi_reduction <add>, %add3A_492, %reduce_sum3A_493 [1] : vector<4x1024xf32> to vector<4xf32>
      %broadcast_in_dim3A_495 = vector.shape_cast %reduce_sum3A_494 : vector<4xf32> to vector<4x1xf32>
      %div3A_496 = arith.constant 1.024000e+03 : f32
      %div3A_497 = vector.broadcast %div3A_496 : f32 to vector<4x1xf32>
      %div3A_498 = arith.divf %broadcast_in_dim3A_495, %div3A_497 : vector<4x1xf32>
      %sub3A_499 = vector.broadcast %div3A_498 : vector<4x1xf32> to vector<4x1024xf32>
      %sub3A_500 = arith.subf %add3A_492, %sub3A_499 : vector<4x1024xf32>
      %integer_pow3A_501 = arith.mulf %sub3A_500, %sub3A_500 : vector<4x1024xf32>
      %reduce_sum3A_502 = arith.constant dense<0.000000e+00> : vector<4xf32>
      %reduce_sum3A_503 = vector.multi_reduction <add>, %integer_pow3A_501, %reduce_sum3A_502 [1] : vector<4x1024xf32> to vector<4xf32>
      %broadcast_in_dim3A_504 = vector.shape_cast %reduce_sum3A_503 : vector<4xf32> to vector<4x1xf32>
      %div3A_505 = arith.constant 1.024000e+03 : f32
      %div3A_506 = vector.broadcast %div3A_505 : f32 to vector<4x1xf32>
      %div3A_507 = arith.divf %broadcast_in_dim3A_504, %div3A_506 : vector<4x1xf32>
      %sub3A_508 = vector.broadcast %div3A_498 : vector<4x1xf32> to vector<4x1024xf32>
      %sub3A_509 = arith.subf %add3A_492, %sub3A_508 : vector<4x1024xf32>
      %mul3A_510 = vector.broadcast %get3A_213 : vector<1x1024xf32> to vector<4x1024xf32>
      %mul3A_511 = arith.mulf %mul3A_510, %sub3A_509 : vector<4x1024xf32>
      %add3A_512 = arith.constant 1.000000e-03 : f32
      %add3A_513 = vector.broadcast %add3A_512 : f32 to vector<4x1xf32>
      %add3A_514 = arith.addf %div3A_507, %add3A_513 : vector<4x1xf32>
      %sqrt3A_515 = math.sqrt %add3A_514 : vector<4x1xf32>
      %div3A_516 = vector.broadcast %sqrt3A_515 : vector<4x1xf32> to vector<4x1024xf32>
      %div3A_517 = arith.divf %mul3A_511, %div3A_516 : vector<4x1024xf32>
      %add3A_518 = vector.broadcast %get3A_216 : vector<1x1024xf32> to vector<4x1024xf32>
      %add3A_519 = arith.addf %div3A_517, %add3A_518 : vector<4x1024xf32>
      %swap3A_520 = arith.constant 0 : index
      %swap3A_521 = arith.constant 508 : index
      %swap3A_522 = arith.constant 0 : index
      %swap3A_523 = vector.load %arg11[%swap3A_520, %swap3A_521, %swap3A_522] : memref<1x512x1024xf32, #tpu.memory_space<vmem>>, vector<1x4x1024xf32>
      %swap3A_524 = vector.shape_cast %swap3A_523 : vector<1x4x1024xf32> to vector<4x1024xf32>
      %swap3A_525 = vector.shape_cast %add3A_519 : vector<4x1024xf32> to vector<1x4x1024xf32>
      tpu.vector_store %arg11[%swap3A_520, %swap3A_521, %swap3A_522], %swap3A_525 {strides = array<i32>} : memref<1x512x1024xf32, #tpu.memory_space<vmem>>, vector<1x4x1024xf32>,
    } else {
    }
    return
  }
  func.func @transform_0(%arg0: i32, %arg1: i32) -> (i32, i32, i32, i32) {
    %mul3A = arith.constant 64 : i32
    %mul3A_0 = arith.muli %arg1, %mul3A : i32
    %sub3A = arith.constant 1 : i32
    %sub3A_1 = arith.subi %mul3A_0, %sub3A : i32
    %max3A = arith.constant 0 : i32
    %max3A_2 = arith.maxsi %sub3A_1, %max3A : i32
    %c0_i32 = arith.constant 0 : i32
    %c0_i32_3 = arith.constant 0 : i32
    %c0_i32_4 = arith.constant 0 : i32
    return %arg0, %c0_i32, %max3A_2, %c0_i32_3 : i32, i32, i32, i32
  }
  func.func @transform_1(%arg0: i32, %arg1: i32) -> (i32, i32, i32, i32) {
    %c0_i32 = arith.constant 0 : i32
    %c0_i32_0 = arith.constant 0 : i32
    %c0_i32_1 = arith.constant 0 : i32
    return %arg0, %c0_i32, %arg1, %c0_i32_0 : i32, i32, i32, i32
  }
  func.func @transform_2(%arg0: i32, %arg1: i32) -> (i32, i32, i32, i32) {
    %add3A = arith.constant 1 : i32
    %add3A_0 = arith.addi %arg1, %add3A : i32
    %mul3A = arith.constant 64 : i32
    %mul3A_1 = arith.muli %add3A_0, %mul3A : i32
    %min3A = arith.constant 255 : i32
    %min3A_2 = arith.minsi %mul3A_1, %min3A : i32
    %c0_i32 = arith.constant 0 : i32
    %c0_i32_3 = arith.constant 0 : i32
    %c0_i32_4 = arith.constant 0 : i32
    return %arg0, %c0_i32, %min3A_2, %c0_i32_3 : i32, i32, i32, i32
  }
  func.func @transform_3(%arg0: i32, %arg1: i32) -> (i32, i32, i32) {
    %c0_i32 = arith.constant 0 : i32
    %c0_i32_0 = arith.constant 0 : i32
    return %arg0, %arg1, %c0_i32 : i32, i32, i32
  }
  func.func @transform_4(%arg0: i32, %arg1: i32) -> (i32, i32) {
    %c0_i32 = arith.constant 0 : i32
    %c0_i32_0 = arith.constant 0 : i32
    %c0_i32_1 = arith.constant 0 : i32
    return %c0_i32, %c0_i32_0 : i32, i32
  }
  func.func @transform_5(%arg0: i32, %arg1: i32) -> (i32, i32) {
    %c0_i32 = arith.constant 0 : i32
    %c0_i32_0 = arith.constant 0 : i32
    %c0_i32_1 = arith.constant 0 : i32
    return %c0_i32, %c0_i32_0 : i32, i32
  }
  func.func @transform_6(%arg0: i32, %arg1: i32) -> (i32, i32) {
    %c0_i32 = arith.constant 0 : i32
    %c0_i32_0 = arith.constant 0 : i32
    %c0_i32_1 = arith.constant 0 : i32
    return %c0_i32, %c0_i32_0 : i32, i32
  }
  func.func @transform_7(%arg0: i32, %arg1: i32) -> (i32, i32) {
    %c0_i32 = arith.constant 0 : i32
    %c0_i32_0 = arith.constant 0 : i32
    %c0_i32_1 = arith.constant 0 : i32
    return %c0_i32, %c0_i32_0 : i32, i32
  }
  func.func @transform_8(%arg0: i32, %arg1: i32) -> (i32, i32) {
    %c0_i32 = arith.constant 0 : i32
    %c0_i32_0 = arith.constant 0 : i32
    %c0_i32_1 = arith.constant 0 : i32
    return %c0_i32, %c0_i32_0 : i32, i32
  }
  func.func @transform_9(%arg0: i32, %arg1: i32) -> (i32, i32, i32) {
    %c0_i32 = arith.constant 0 : i32
    %c0_i32_0 = arith.constant 0 : i32
    return %arg0, %arg1, %c0_i32 : i32, i32, i32
  }
}

</mosaic_0001>

<sc_bundles>
// kernel: kernel.7.cloned.1.call-start
scs
__scs_entry_jumppad:
0x0: {  	(pc) =	sbr.rel $0x88, $3  }
0x1: {  	(tag) =	ssettag $0x0;
	lr =	simm.s32 $0x1  }
0x2: {  	[smem:$0x3F97] =	sst lr;
	_ =	strace $0xD0000000  }
0x3: {  	_ = 	snop  }
0x4: {  	_ = 	snop  }
0x5: {  	_ = 	snop  }
0x6: {  	_ = 	snop  }
0x7: {  	_ = 	snop  }
__scs_overlays_trampoline_lowered:
0x8: {  	[smem:$0x3FA6] =	sst s0  }
0x9: {  	[smem:$0x3FA7] =	sst s1  }
0xa: {  	[smem:$0x3FA8] =	sst s2  }
0xb: {  	[smem:$0x3FA9] =	sst s3  }
0xc: {  	[smem:$0x3FAA] =	sst s4  }
0xd: {  	[smem:$0x3FAB] =	sst s5  }
0xe: {  	[smem:$0x3FAC] =	sst s6  }
0xf: {  	[smem:$0x3FAD] =	sst s7  }
0x10: {  	[smem:$0x3FAE] =	sst s8  }
0x11: {  	[smem:$0x3FAF] =	sst s9;
	s0 =	simm.s32 @!p0 $0x0  }
0x12: {  	s1 =	sld [smem:$0x3F95];
	s0 =	simm.s32 @p0 $0x1  }
0x13: {  	[smem:$0x3FB0] =	sst s0;
	s0 =	simm.s32 @!p1 $0x0  }
0x14: {  	s2 =	sld [smem:$0x3F94];
	s0 =	simm.s32 @p1 $0x1  }
0x15: {  	[smem:$0x3FB1] =	sst s0;
	s0 =	simm.s32 @!p2 $0x0  }
0x16: {  	s3 =	sld [smem:$0x3FDB];
	s0 =	simm.s32 @p2 $0x1  }
0x17: {  	s4 =	simm.s32 $0x1BF5;
	[smem:$0x3FB3] =	sst s0  }
0x18: {  	s0 =	sld [smem:$0x3F96];
	_ =	swait.ge [sflag:s4], $0x0  }
0x19: {  	s7 =	sld [smem:$0x3F97]  }
0x1a: {  	s8 =	sadd.s32 $0xFFFFE003, lr  }
0x1b: {  	s9 =	sadd.s32 $0xFFFFFEF7, lr;
	s5 =	simm.s32 $0xFFFFFFFF;
	p2 =	slt.u32 s8, $0xFFFFF086  }
0x1c: {  	p1 =	slt.u32 s9, $0xF7A;
	s5 =	simm.s32 @!p2 $0x0  }
0x1d: {  	s5 =	simm.s32 @p1 $0x1;
	p0 =	seq.s32 s7, s2  }
0x1e: {  	s7 =	smul.u32 @!p0 $0xF7A, s2;
	p2 =	seq.s32 @!p0 s5, $0x0  }
0x1f: {  	s9 =	smul.u32 $0xF7A, s1;
	s8 =	simm.s32 @!p0 $0x1BF5;
	p2 =	por !p2, p0  }
0x20: {  	[sflag:s8] =	ssyncset.s32 @!p0 $0xFFFFF086;
	s6 =	sadd.s32 @!p0 s3, s7;
	s7 =	simm.s32 @!p0 $0x108  }
0x21: {  	s3 =	sadd.s32 s3, s9;
	s6 =	sadd.s32 @!p0 $0x88, s6;
	s7 =	simm.s32 @p2 $0x1082  }
0x22: {  	[simem:s7], [sflag:s8] =	dma.local @!p0 [hbm:s6], $0xF7A  }
0x23: {  	s9 =	sor.u32 $0xD0000000, s2;
	s6 =	simm.s32 $0x108;
	_ =	swait.ge @!p0 [sflag:s8], $0x0  }
0x24: {  	s3 =	sadd.s32 $0x88, s3;
	s6 =	simm.s32 @!p1 $0x1082;
	[sflag:s4] =	ssyncset.s32 $0xFFFFF086  }
0x25: {  	[simem:s6], [sflag:s4] =	dma.local [hbm:s3], $0xF7A  }
0x26: {  	[smem:$0x3F97] =	sst s1;
	(tag) =	ssettag s2;
	_ =	strace s9  }
0x27: {  	s1 =	sld [smem:$0x3FA7]  }
0x28: {  	s2 =	sld [smem:$0x3FA8]  }
0x29: {  	s4 =	sld [smem:$0x3FAA]  }
0x2a: {  	p0 =	seq.s32 s5, $0x0;
	s5 =	sld [smem:$0x3FAB]  }
0x2b: {  	s6 =	sld [smem:$0x3FAC]  }
0x2c: {  	s7 =	sld [smem:$0x3FAD]  }
0x2d: {  	s3 =	simm.s32 $0x108;
	s8 =	sld [smem:$0x3FAE]  }
0x2e: {  	s3 =	simm.s32 @!p0 $0x1082;
	s9 =	sld [smem:$0x3FAF]  }
0x2f: {  	lr =	sadd.s32 s0, s3;
	s0 =	sld [smem:$0x3FA6]  }
0x30: {  	s3 =	sld [smem:$0x3FA9]  }
0x31: {  	[smem:$0x3FB2] =	sst s10  }
0x32: {  	s10 =	sld [smem:$0x3FB0];
	_ =	sdelay $0x3  }
0x33: {  	p0 =	seq.s32 s10, $0x1;
	s10 =	sld [smem:$0x3FB2];
	_ =	sdelay $0x3  }
0x34: {  	[smem:$0x3FB2] =	sst s10  }
0x35: {  	s10 =	sld [smem:$0x3FB1];
	_ =	sdelay $0x3  }
0x36: {  	p1 =	seq.s32 s10, $0x1;
	s10 =	sld [smem:$0x3FB2];
	_ =	sdelay $0x3  }
0x37: {  	[smem:$0x3FB2] =	sst s10  }
0x38: {  	s10 =	sld [smem:$0x3FB3]  }
0x39: {  	_ = 	snop;
	(pc) =	sbr.ind lr, $3  }
0x3a: {  	_ = 	snop  }
0x3b: {  	_ = 	snop  }
0x3c: {  	p2 =	seq.s32 s10, $0x1;
	s10 =	sld [smem:$0x3FB2]  }
0x3d: {  	_ =	shalt  }
0x3e: {  	_ =	shalt  }
0x3f: {  	_ =	shalt  }
0x40: {  	_ =	shalt  }
0x41: {  	_ =	shalt  }
0x42: {  	_ =	shalt  }
0x43: {  	_ =	shalt  }
0x44: {  	_ =	shalt  }
0x45: {  	_ =	shalt  }
0x46: {  	_ =	shalt  }
0x47: {  	_ =	shalt  }
0x48: {  	_ =	shalt  }
0x49: {  	_ =	shalt  }
0x4a: {  	_ =	shalt  }
0x4b: {  	_ =	shalt  }
0x4c: {  	_ =	shalt  }
0x4d: {  	_ =	shalt  }
0x4e: {  	_ =	shalt  }
0x4f: {  	_ =	shalt  }
0x50: {  	_ =	shalt  }
0x51: {  	_ =	shalt  }
0x52: {  	_ =	shalt  }
0x53: {  	_ =	shalt  }
0x54: {  	_ =	shalt  }
0x55: {  	_ =	shalt  }
0x56: {  	_ =	shalt  }
0x57: {  	_ =	shalt  }
0x58: {  	_ =	shalt  }
0x59: {  	_ =	shalt  }
0x5a: {  	_ =	shalt  }
0x5b: {  	_ =	shalt  }
0x5c: {  	_ =	shalt  }
0x5d: {  	_ =	shalt  }
0x5e: {  	_ =	shalt  }
0x5f: {  	_ =	shalt  }
0x60: {  	_ =	shalt  }
0x61: {  	_ =	shalt  }
0x62: {  	_ =	shalt  }
0x63: {  	_ =	shalt  }
0x64: {  	_ =	shalt  }
0x65: {  	_ =	shalt  }
0x66: {  	_ =	shalt  }
0x67: {  	_ =	shalt  }
0x68: {  	_ =	shalt  }
0x69: {  	_ =	shalt  }
0x6a: {  	_ =	shalt  }
0x6b: {  	_ =	shalt  }
0x6c: {  	_ =	shalt  }
0x6d: {  	_ =	shalt  }
0x6e: {  	_ =	shalt  }
0x6f: {  	_ =	shalt  }
0x70: {  	_ =	shalt  }
0x71: {  	_ =	shalt  }
0x72: {  	_ =	shalt  }
0x73: {  	_ =	shalt  }
0x74: {  	_ =	shalt  }
0x75: {  	_ =	shalt  }
0x76: {  	_ =	shalt  }
0x77: {  	_ =	shalt  }
0x78: {  	_ =	shalt  }
0x79: {  	_ =	shalt  }
0x7a: {  	_ =	shalt  }
0x7b: {  	_ =	shalt  }
0x7c: {  	_ =	shalt  }
0x7d: {  	_ =	shalt  }
0x7e: {  	_ =	shalt  }
0x7f: {  	_ =	shalt  }
0x80: {  	_ =	shalt  }
0x81: {  	_ =	shalt  }
0x82: {  	_ =	shalt  }
0x83: {  	_ =	shalt  }
0x84: {  	_ =	shalt  }
0x85: {  	_ =	shalt  }
0x86: {  	_ =	shalt  }
0x87: {  	_ =	shalt  }
.Lfunc_end0:
.L_simem_size_0:
called_computation_lowered:
.L_overlay_start_0:
0x88: {  	s2 =	sld [smem:$0x3FD9]  }
0x89: {  	s3 =	sld [smem:$0x3FFE];
	_ =	sdelay $0x1  }
0x8a: {  	s1 =	srdreg.scid  }
0x8b: {  	s0 =	sand.u32 $0x1, s1  }
0x8c: {  	s17 =	sshll.u32 s0, $0xA;
	s2 =	sadd.s32 s3, s2  }
0x8d: {  	s2 =	sadd.s32 s2, s17  }
0x8e: {  	[smem:$0x3FBE] =	sst s2  }
0x8f: {  	_ = 	snop  }
0x90: {  	s2 =	sld [smem:$0x3FD0];
	(tm) =	ssettm $0x1  }
0x91: {  	s18 =	sld [smem:$0x3FFB];
	_ =	sdelay $0x3  }
0x92: {  	_ =	strace s18  }
0x93: {  	s3 =	sld [smem:$0x3FFC];
	_ =	sdelay $0x3  }
0x94: {  	_ =	strace s3  }
0x95: {  	s3 =	sld [smem:$0x3FFD];
	_ =	sdelay $0x3  }
0x96: {  	_ =	strace s3  }
0x97: {  	_ =	strace $0x8FFFFFFF  }
0x98: {  	s19 =	sld [smem:$0x3FDB];
	_ =	sdelay $0x1  }
0x99: {  	s4 =	simm.s32 $_scs_section_size  }
0x9a: {  	s5 =	simm.s32 $_size__tile_overlayer_lowered;
	s6 =	simm.s32 $_tile_overlayer_lowered  }
0x9b: {  	s22 =	simm.s32 $0x1BFF;
	s21 =	sshll.u32 s6, $0x1;
	s3 =	sadd.s32 s4, s19  }
0x9c: {  	s7 =	simm.s32 $0x0;
	s20 =	sshll.u32 s5, $0x1;
	s5 =	sadd.s32 s21, s3  }
0x9d: {  	[timem:s7], [sflag:s22] =	dma.local [hbm:s5], s20  }
0x9e: {  	_ =	swait.ge [sflag:s22], s20  }
0x9f: {  	s4 =	ssub.s32 $0x0, s20;
	[sflag:s22] =	ssyncset.done $0x0  }
0xa0: {  	[sflag:s22] =	ssyncadd.s32 s4;
	_ =	sdelay $0x1  }
0xa1: {  	s23 =	simm.s32 $0x1B8B  }
0xa2: {  	_ =	swait.ge [sflag:s23], $0x1  }
0xa3: {  	[sflag:s23] =	ssyncset.done $0x0  }
0xa4: {  	s25 =	simm.s32 $0x1B8E;
	s24 =	sld [smem:$0x3FFE];
	[sflag:s23] =	ssyncadd.s32 $0xFFFFFFFF  }
0xa5: {  	s26 =	simm.s32 $execute0_lowered;
	[smem:$0x3FD2] =	sst s25  }
0xa6: {  	s5 =	sshll.u32 s26, $0x1;
	_ =	strace $0x80000046;
	[dreg:$0x1] =	wrdreg $0xFFFFFFFF  }
0xa7: {  	s28 =	simm.s32 $_size_execute0_lowered;
	s3 =	sadd.s32 s3, s5;
	[dreg:$0x0] =	wrdreg $0x0  }
0xa8: {  	s5 =	sshll.u32 s28, $0x1;
	[dreg:$0x2] =	wrdreg s3  }
0xa9: {  	[dreg:$0x3] =	wrdreg s5  }
0xaa: {  	[dreg:$0x4] =	wrdreg $0xC0  }
0xab: {  	_ =	task [dreg:s7], $0x5FFFF  }
0xac: {  	[dreg:$0x1] =	wrdreg $0xFFFFFFFF  }
0xad: {  	[dreg:$0x0] =	wrdreg $0x60  }
0xae: {  	[dreg:$0x2] =	wrdreg s2  }
0xaf: {  	[dreg:$0x3] =	wrdreg s24  }
0xb0: {  	[dreg:$0x4] =	wrdreg $0x9  }
0xb1: {  	_ =	task.clear_ibuf [dreg:s7], $0x5FFFF;
	_ =	strace $0x90000046  }
0xb2: {  	s29 =	simm.s32 $0x9;
	_ =	strace $0x80000048  }
0xb3: {  	_ =	swait.ge [sflag:s29], $0x1  }
0xb4: {  	[sflag:s29] =	ssyncadd.s32 $0xFFFFFFFF  }
0xb5: {  	_ =	strace $0x90000048  }
0xb6: {  	_ =	sfence  }
0xb7: {  	s30 =	sld [smem:$0x0];
	_ =	sdelay $0x2  }
0xb8: {  	s31 =	sshll.u32 s1, $0xD;
	s1 =	sshrl.u32 s1, $0x2  }
0xb9: {  	s3 =	sand.u32 $0x4000, s31;
	s1 =	sadd.s32 s1, s30  }
0xba: {  	s0 =	sor.u32 s3, s0;
	s1 =	sshll.u32 s1, $0x11  }
0xbb: {  	s0 =	sor.u32 s1, s0  }
0xbc: {  	s0 =	sadd.s32 $0x8F2B, s0  }
0xbd: {  	[sflag:s0] =	ssyncadd.remote.s32 $0x1  }
0xbe: {  	_ =	sfence.sel $0xFFFF  }
0xbf: {  	[dreg:$0x0] =	wrdreg $0xFFFFFFFF;
	(pc) =	sbr.abs _section_cstart, $3  }
0xc0: {  	[dreg:$0x1] =	wrdreg $0xFFFFFFFF  }
0xc1: {  	_ =	task.clear_ibuf [dreg:s7], $0x2FFFF;
	_ =	strace $0x9FFFFFFF  }
0xc2: {  	(tm) =	ssettm $0x7FFFFFFF  }
0xc3: {  	_ =	shalt  }
tec
execute0_lowered:
.L_overlay_start_1:
0x0: {  	(tag) =	ssettag $0x1  }
0x1: {  	s0 =	rddreg [dreg:$0x0]  }
0x2: {  	s3 =	rddreg [dreg:$0x1]  }
0x3: {  	s2 =	srdreg.scid;
	s1 =	stileid.u32  }
0x4: {  	s12 =	simm.s32 $0x8000;
	s13 =	simm.s32 $0x1;
	s14 =	simm.s32 $0x800  }
0x5: {  	s15 =	simm.s32 $0x1000;
	s16 =	simm.s32 $0x1800;
	s17 =	simm.s32 $0x2000  }
0x6: {  	s18 =	simm.s32 $0x2800;
	s19 =	simm.s32 $0x3000;
	s20 =	simm.s32 $0x3800  }
0x7: {  	s21 =	simm.s32 $0x4000;
	s22 =	simm.s32 $0x4800;
	s23 =	simm.s32 $0x5000  }
0x8: {  	s24 =	simm.s32 $0x5800;
	s28 =	simm.s32 $0x7000;
	s29 =	simm.s32 $0x7800  }
0x9: {  	s30 =	simm.s32 $0x8080;
	s31 =	simm.s32 $0x8100;
	s4 =	sand.u32 $0x1, s2  }
0xa: {  	s2 =	simm.s32 $0x0;
	s6 =	sshll.u32 s1, $0x6;
	s26 =	sshll.u32 s1, $0xC  }
0xb: {  	s5 =	sshll.u32 s4, $0xA;
	[smem:$0x7FF] =	sst s2;
	s25 =	ssub.s32 $0x2, s4  }
0xc: {  	s4 =	sshll.u32 s4, $0x12;
	s5 =	sor.u32 s6, s5;
	_ =	strace $0x80000047  }
0xd: {  	s7 =	sshrl.u32 s25, $0x1;
	s4 =	sor.u32 s26, s4;
	s26 =	simm.s32 $0x6800  }
0xe: {  	s9 =	sadd.s32 s5, s3;
	s3 =	sadd.s32 $0x1C00, s3;
	s11 =	ssub.s32 s25, s7  }
0xf: {  	s4 =	sadd.s32 s0, s4;
	s25 =	simm.s32 $0x6000;
	s0 =	simm.s32 $0x8180  }
0x10: {  	v2 =	vlaneseq.u32;
	s8 =	sadd.s32 $0x1400, s9;
	s5 =	sadd.s32 $0x1410, s9;
	s6 =	sadd.s32 $0x10000, s4  }
0x11: {  	vm0 =	vmmov $0xffff;
	v1 =	vshrl.u32 v2, $0x3;
	s7 =	sadd.s32 $0x1420, s9;
	s9 =	sadd.s32 $0x1430, s9;
	s10 =	sadd.s32 $0x30000, s4  }
0x12: {  	v0 =	vand.u32 $0x7, v2;
	v2 =	vor.u32 $0x8, v2;
	v1 =	vmul.u32 $0x8, v1;
	s11 =	smax.u32 s11, $0x1;
	[dreg:$0x3] =	wrdreg s8;
	s8 =	sadd.s32 $0x20000, s4  }
.LBB2_1:
0x13: {  	s1 =	rddreg [dreg:$0x3]  }
0x14: {  	[tilespmem:s12], [sflag:$0x1] =	stream.linear.gather [hbm4b:s1+s2], $0x80, $0x38;
	[tilespmem:$0x8200] =	vst v63  }
0x15: {  	_ =	swait.ge [sflag:s13], $0x80  }
0x16: {  	[sflag:s13] =	ssyncset.done $0x0  }
0x17: {  	[sflag:s13] =	ssyncadd.s32 $0xFFFFFF80  }
0x18: {  	[tilespmem:s2], [sflag:$0x1] =	stream.linear.gather [hbm4b:s4+s2], $0x8000, $0x38;
	[tilespmem:$0x8200] =	vst v63  }
0x19: {  	_ =	swait.ge [sflag:s13], $0x8000  }
0x1a: {  	[sflag:s13] =	ssyncset.done $0x0  }
0x1b: {  	[sflag:s13] =	ssyncadd.s32 $0xFFFF8000  }
0x1c: {  	v3 =	vld [tilespmem:$0x8000];
	_ =	sdelay $0x4  }
0x1d: {  	v4 =	vshll.u32 v3, $0x1  }
0x1e: {  	v3 =	vand.u32 $0x7, v3;
	v4 =	vand.u32 $0xFFFFFFF0, v4  }
0x1f: {  	v3 =	vor.u32 v3, v4  }
0x20: {  	v4 =	vperm.xlane v3, v0;
	_ =	sdelay $0x1  }
0x21: {  	v3 =	vperm.xlane v3, v2;
	v4 =	vadd.s32 v1, v4;
	_ =	sdelay $0x1  }
0x22: {  	v3 =	vadd.s32 v1, v3;
	_ =	sdelay $0x2  }
0x23: {  	[hbm4b:s3+s2] =	stream.indirect_vreg.scatter [tilespmem:s2], [sflag:$0x1], $0x80, v4, vm0, $0xb8;
	[tilespmem:$0x8200] =	vst v63  }
0x24: {  	_ = 	snop  }
0x25: {  	[hbm4b:s3+s2] =	stream.indirect_vreg.scatter [tilespmem:s14], [sflag:$0x1], $0x80, v3, vm0, $0xb8;
	[tilespmem:$0x8200] =	vst v63  }
0x26: {  	v3 =	vld [tilespmem:$0x8010];
	_ =	sdelay $0x4  }
0x27: {  	v33 =	vshll.u32 v3, $0x1  }
0x28: {  	v3 =	vand.u32 $0x7, v3;
	v4 =	vand.u32 $0xFFFFFFF0, v33  }
0x29: {  	v3 =	vor.u32 v3, v4  }
0x2a: {  	v4 =	vperm.xlane v3, v0;
	_ =	sdelay $0x1  }
0x2b: {  	v3 =	vperm.xlane v3, v2;
	v4 =	vadd.s32 v1, v4;
	_ =	sdelay $0x1  }
0x2c: {  	v3 =	vadd.s32 v1, v3;
	_ =	sdelay $0x2  }
0x2d: {  	[hbm4b:s3+s2] =	stream.indirect_vreg.scatter [tilespmem:s15], [sflag:$0x1], $0x80, v4, vm0, $0xb8;
	[tilespmem:$0x8200] =	vst v63  }
0x2e: {  	_ = 	snop  }
0x2f: {  	[hbm4b:s3+s2] =	stream.indirect_vreg.scatter [tilespmem:s16], [sflag:$0x1], $0x80, v3, vm0, $0xb8;
	[tilespmem:$0x8200] =	vst v63  }
0x30: {  	v3 =	vld [tilespmem:$0x8020];
	_ =	sdelay $0x4  }
0x31: {  	v34 =	vshll.u32 v3, $0x1  }
0x32: {  	v3 =	vand.u32 $0x7, v3;
	v4 =	vand.u32 $0xFFFFFFF0, v34  }
0x33: {  	v3 =	vor.u32 v3, v4  }
0x34: {  	v4 =	vperm.xlane v3, v0;
	_ =	sdelay $0x1  }
0x35: {  	v3 =	vperm.xlane v3, v2;
	v4 =	vadd.s32 v1, v4;
	_ =	sdelay $0x1  }
0x36: {  	v3 =	vadd.s32 v1, v3;
	_ =	sdelay $0x2  }
0x37: {  	[hbm4b:s3+s2] =	stream.indirect_vreg.scatter [tilespmem:s17], [sflag:$0x1], $0x80, v4, vm0, $0xb8;
	[tilespmem:$0x8200] =	vst v63  }
0x38: {  	_ = 	snop  }
0x39: {  	[hbm4b:s3+s2] =	stream.indirect_vreg.scatter [tilespmem:s18], [sflag:$0x1], $0x80, v3, vm0, $0xb8;
	[tilespmem:$0x8200] =	vst v63  }
0x3a: {  	v3 =	vld [tilespmem:$0x8030];
	_ =	sdelay $0x4  }
0x3b: {  	v35 =	vshll.u32 v3, $0x1  }
0x3c: {  	v3 =	vand.u32 $0x7, v3;
	v4 =	vand.u32 $0xFFFFFFF0, v35  }
0x3d: {  	v3 =	vor.u32 v3, v4  }
0x3e: {  	v4 =	vperm.xlane v3, v0;
	_ =	sdelay $0x1  }
0x3f: {  	v3 =	vperm.xlane v3, v2;
	v4 =	vadd.s32 v1, v4;
	_ =	sdelay $0x1  }
0x40: {  	v3 =	vadd.s32 v1, v3;
	_ =	sdelay $0x2  }
0x41: {  	[hbm4b:s3+s2] =	stream.indirect_vreg.scatter [tilespmem:s19], [sflag:$0x1], $0x80, v4, vm0, $0xb8;
	[tilespmem:$0x8200] =	vst v63  }
0x42: {  	_ = 	snop  }
0x43: {  	[hbm4b:s3+s2] =	stream.indirect_vreg.scatter [tilespmem:s20], [sflag:$0x1], $0x80, v3, vm0, $0xb8;
	[tilespmem:$0x8200] =	vst v63  }
0x44: {  	v3 =	vld [tilespmem:$0x8040];
	_ =	sdelay $0x4  }
0x45: {  	v36 =	vshll.u32 v3, $0x1  }
0x46: {  	v3 =	vand.u32 $0x7, v3;
	v4 =	vand.u32 $0xFFFFFFF0, v36  }
0x47: {  	v3 =	vor.u32 v3, v4  }
0x48: {  	v4 =	vperm.xlane v3, v0;
	_ =	sdelay $0x1  }
0x49: {  	v3 =	vperm.xlane v3, v2;
	v4 =	vadd.s32 v1, v4;
	_ =	sdelay $0x1  }
0x4a: {  	v3 =	vadd.s32 v1, v3;
	_ =	sdelay $0x2  }
0x4b: {  	[hbm4b:s3+s2] =	stream.indirect_vreg.scatter [tilespmem:s21], [sflag:$0x1], $0x80, v4, vm0, $0xb8;
	[tilespmem:$0x8200] =	vst v63  }
0x4c: {  	_ = 	snop  }
0x4d: {  	[hbm4b:s3+s2] =	stream.indirect_vreg.scatter [tilespmem:s22], [sflag:$0x1], $0x80, v3, vm0, $0xb8;
	[tilespmem:$0x8200] =	vst v63  }
0x4e: {  	v3 =	vld [tilespmem:$0x8050];
	_ =	sdelay $0x4  }
0x4f: {  	v37 =	vshll.u32 v3, $0x1  }
0x50: {  	v3 =	vand.u32 $0x7, v3;
	v4 =	vand.u32 $0xFFFFFFF0, v37  }
0x51: {  	v3 =	vor.u32 v3, v4  }
0x52: {  	v4 =	vperm.xlane v3, v0;
	_ =	sdelay $0x1  }
0x53: {  	v3 =	vperm.xlane v3, v2;
	v4 =	vadd.s32 v1, v4;
	_ =	sdelay $0x1  }
0x54: {  	v3 =	vadd.s32 v1, v3;
	_ =	sdelay $0x2  }
0x55: {  	[hbm4b:s3+s2] =	stream.indirect_vreg.scatter [tilespmem:s23], [sflag:$0x1], $0x80, v4, vm0, $0xb8;
	[tilespmem:$0x8200] =	vst v63  }
0x56: {  	_ = 	snop  }
0x57: {  	[hbm4b:s3+s2] =	stream.indirect_vreg.scatter [tilespmem:s24], [sflag:$0x1], $0x80, v3, vm0, $0xb8;
	[tilespmem:$0x8200] =	vst v63  }
0x58: {  	v3 =	vld [tilespmem:$0x8060];
	_ =	sdelay $0x4  }
0x59: {  	v38 =	vshll.u32 v3, $0x1  }
0x5a: {  	v3 =	vand.u32 $0x7, v3;
	v4 =	vand.u32 $0xFFFFFFF0, v38  }
0x5b: {  	v3 =	vor.u32 v3, v4  }
0x5c: {  	v4 =	vperm.xlane v3, v0;
	_ =	sdelay $0x1  }
0x5d: {  	v3 =	vperm.xlane v3, v2;
	v4 =	vadd.s32 v1, v4;
	_ =	sdelay $0x1  }
0x5e: {  	v3 =	vadd.s32 v1, v3;
	_ =	sdelay $0x2  }
0x5f: {  	[hbm4b:s3+s2] =	stream.indirect_vreg.scatter [tilespmem:s25], [sflag:$0x1], $0x80, v4, vm0, $0xb8;
	[tilespmem:$0x8200] =	vst v63  }
0x60: {  	_ = 	snop  }
0x61: {  	[hbm4b:s3+s2] =	stream.indirect_vreg.scatter [tilespmem:s26], [sflag:$0x1], $0x80, v3, vm0, $0xb8;
	[tilespmem:$0x8200] =	vst v63  }
0x62: {  	v3 =	vld [tilespmem:$0x8070];
	_ =	sdelay $0x4  }
0x63: {  	v39 =	vshll.u32 v3, $0x1  }
0x64: {  	v3 =	vand.u32 $0x7, v3;
	v4 =	vand.u32 $0xFFFFFFF0, v39  }
0x65: {  	v3 =	vor.u32 v3, v4  }
0x66: {  	v4 =	vperm.xlane v3, v0;
	_ =	sdelay $0x1  }
0x67: {  	v3 =	vperm.xlane v3, v2;
	v4 =	vadd.s32 v1, v4;
	_ =	sdelay $0x1  }
0x68: {  	v3 =	vadd.s32 v1, v3;
	_ =	sdelay $0x2  }
0x69: {  	[hbm4b:s3+s2] =	stream.indirect_vreg.scatter [tilespmem:s28], [sflag:$0x1], $0x80, v4, vm0, $0xb8;
	[tilespmem:$0x8200] =	vst v63  }
0x6a: {  	_ = 	snop  }
0x6b: {  	[hbm4b:s3+s2] =	stream.indirect_vreg.scatter [tilespmem:s29], [sflag:$0x1], $0x80, v3, vm0, $0xb8;
	[tilespmem:$0x8200] =	vst v63  }
0x6c: {  	_ =	swait.ge [sflag:s13], $0x8000  }
0x6d: {  	[sflag:s13] =	ssyncset.done $0x0  }
0x6e: {  	[sflag:s13] =	ssyncadd.s32 $0xFFFF8000  }
0x6f: {  	[tilespmem:s30], [sflag:$0x1] =	stream.linear.gather [hbm4b:s5+s2], $0x80, $0x38;
	[tilespmem:$0x8200] =	vst v63  }
0x70: {  	_ =	swait.ge [sflag:s13], $0x80  }
0x71: {  	[sflag:s13] =	ssyncset.done $0x0  }
0x72: {  	[sflag:s13] =	ssyncadd.s32 $0xFFFFFF80  }
0x73: {  	[tilespmem:s2], [sflag:$0x1] =	stream.linear.gather [hbm4b:s6+s2], $0x8000, $0x38;
	[tilespmem:$0x8200] =	vst v63  }
0x74: {  	_ =	swait.ge [sflag:s13], $0x8000  }
0x75: {  	[sflag:s13] =	ssyncset.done $0x0  }
0x76: {  	[sflag:s13] =	ssyncadd.s32 $0xFFFF8000  }
0x77: {  	v3 =	vld [tilespmem:$0x8080];
	_ =	sdelay $0x4  }
0x78: {  	v40 =	vshll.u32 v3, $0x1  }
0x79: {  	v3 =	vand.u32 $0x7, v3;
	v4 =	vand.u32 $0xFFFFFFF0, v40  }
0x7a: {  	v3 =	vor.u32 v3, v4  }
0x7b: {  	v4 =	vperm.xlane v3, v0;
	_ =	sdelay $0x1  }
0x7c: {  	v3 =	vperm.xlane v3, v2;
	v4 =	vadd.s32 v1, v4;
	_ =	sdelay $0x1  }
0x7d: {  	v3 =	vadd.s32 v1, v3;
	_ =	sdelay $0x2  }
0x7e: {  	[hbm4b:s3+s2] =	stream.indirect_vreg.scatter [tilespmem:s2], [sflag:$0x1], $0x80, v4, vm0, $0xb8;
	[tilespmem:$0x8200] =	vst v63  }
0x7f: {  	_ = 	snop  }
0x80: {  	[hbm4b:s3+s2] =	stream.indirect_vreg.scatter [tilespmem:s14], [sflag:$0x1], $0x80, v3, vm0, $0xb8;
	[tilespmem:$0x8200] =	vst v63  }
0x81: {  	v3 =	vld [tilespmem:$0x8090];
	_ =	sdelay $0x4  }
0x82: {  	v41 =	vshll.u32 v3, $0x1  }
0x83: {  	v3 =	vand.u32 $0x7, v3;
	v4 =	vand.u32 $0xFFFFFFF0, v41  }
0x84: {  	v3 =	vor.u32 v3, v4  }
0x85: {  	v4 =	vperm.xlane v3, v0;
	_ =	sdelay $0x1  }
0x86: {  	v3 =	vperm.xlane v3, v2;
	v4 =	vadd.s32 v1, v4;
	_ =	sdelay $0x1  }
0x87: {  	v3 =	vadd.s32 v1, v3;
	_ =	sdelay $0x2  }
0x88: {  	[hbm4b:s3+s2] =	stream.indirect_vreg.scatter [tilespmem:s15], [sflag:$0x1], $0x80, v4, vm0, $0xb8;
	[tilespmem:$0x8200] =	vst v63  }
0x89: {  	_ = 	snop  }
0x8a: {  	[hbm4b:s3+s2] =	stream.indirect_vreg.scatter [tilespmem:s16], [sflag:$0x1], $0x80, v3, vm0, $0xb8;
	[tilespmem:$0x8200] =	vst v63  }
0x8b: {  	v3 =	vld [tilespmem:$0x80A0];
	_ =	sdelay $0x4  }
0x8c: {  	v42 =	vshll.u32 v3, $0x1  }
0x8d: {  	v3 =	vand.u32 $0x7, v3;
	v4 =	vand.u32 $0xFFFFFFF0, v42  }
0x8e: {  	v3 =	vor.u32 v3, v4  }
0x8f: {  	v4 =	vperm.xlane v3, v0;
	_ =	sdelay $0x1  }
0x90: {  	v3 =	vperm.xlane v3, v2;
	v4 =	vadd.s32 v1, v4;
	_ =	sdelay $0x1  }
0x91: {  	v3 =	vadd.s32 v1, v3;
	_ =	sdelay $0x2  }
0x92: {  	[hbm4b:s3+s2] =	stream.indirect_vreg.scatter [tilespmem:s17], [sflag:$0x1], $0x80, v4, vm0, $0xb8;
	[tilespmem:$0x8200] =	vst v63  }
0x93: {  	_ = 	snop  }
0x94: {  	[hbm4b:s3+s2] =	stream.indirect_vreg.scatter [tilespmem:s18], [sflag:$0x1], $0x80, v3, vm0, $0xb8;
	[tilespmem:$0x8200] =	vst v63  }
0x95: {  	v3 =	vld [tilespmem:$0x80B0];
	_ =	sdelay $0x4  }
0x96: {  	v43 =	vshll.u32 v3, $0x1  }
0x97: {  	v3 =	vand.u32 $0x7, v3;
	v4 =	vand.u32 $0xFFFFFFF0, v43  }
0x98: {  	v3 =	vor.u32 v3, v4  }
0x99: {  	v4 =	vperm.xlane v3, v0;
	_ =	sdelay $0x1  }
0x9a: {  	v3 =	vperm.xlane v3, v2;
	v4 =	vadd.s32 v1, v4;
	_ =	sdelay $0x1  }
0x9b: {  	v3 =	vadd.s32 v1, v3;
	_ =	sdelay $0x2  }
0x9c: {  	[hbm4b:s3+s2] =	stream.indirect_vreg.scatter [tilespmem:s19], [sflag:$0x1], $0x80, v4, vm0, $0xb8;
	[tilespmem:$0x8200] =	vst v63  }
0x9d: {  	_ = 	snop  }
0x9e: {  	[hbm4b:s3+s2] =	stream.indirect_vreg.scatter [tilespmem:s20], [sflag:$0x1], $0x80, v3, vm0, $0xb8;
	[tilespmem:$0x8200] =	vst v63  }
0x9f: {  	v3 =	vld [tilespmem:$0x80C0];
	_ =	sdelay $0x4  }
0xa0: {  	v44 =	vshll.u32 v3, $0x1  }
0xa1: {  	v3 =	vand.u32 $0x7, v3;
	v4 =	vand.u32 $0xFFFFFFF0, v44  }
0xa2: {  	v3 =	vor.u32 v3, v4  }
0xa3: {  	v4 =	vperm.xlane v3, v0;
	_ =	sdelay $0x1  }
0xa4: {  	v3 =	vperm.xlane v3, v2;
	v4 =	vadd.s32 v1, v4;
	_ =	sdelay $0x1  }
0xa5: {  	v3 =	vadd.s32 v1, v3;
	_ =	sdelay $0x2  }
0xa6: {  	[hbm4b:s3+s2] =	stream.indirect_vreg.scatter [tilespmem:s21], [sflag:$0x1], $0x80, v4, vm0, $0xb8;
	[tilespmem:$0x8200] =	vst v63  }
0xa7: {  	_ = 	snop  }
0xa8: {  	[hbm4b:s3+s2] =	stream.indirect_vreg.scatter [tilespmem:s22], [sflag:$0x1], $0x80, v3, vm0, $0xb8;
	[tilespmem:$0x8200] =	vst v63  }
0xa9: {  	v3 =	vld [tilespmem:$0x80D0];
	_ =	sdelay $0x4  }
0xaa: {  	v45 =	vshll.u32 v3, $0x1  }
0xab: {  	v3 =	vand.u32 $0x7, v3;
	v4 =	vand.u32 $0xFFFFFFF0, v45  }
0xac: {  	v3 =	vor.u32 v3, v4  }
0xad: {  	v4 =	vperm.xlane v3, v0;
	_ =	sdelay $0x1  }
0xae: {  	v3 =	vperm.xlane v3, v2;
	v4 =	vadd.s32 v1, v4;
	_ =	sdelay $0x1  }
0xaf: {  	v3 =	vadd.s32 v1, v3;
	_ =	sdelay $0x2  }
0xb0: {  	[hbm4b:s3+s2] =	stream.indirect_vreg.scatter [tilespmem:s23], [sflag:$0x1], $0x80, v4, vm0, $0xb8;
	[tilespmem:$0x8200] =	vst v63  }
0xb1: {  	_ = 	snop  }
0xb2: {  	[hbm4b:s3+s2] =	stream.indirect_vreg.scatter [tilespmem:s24], [sflag:$0x1], $0x80, v3, vm0, $0xb8;
	[tilespmem:$0x8200] =	vst v63  }
0xb3: {  	v3 =	vld [tilespmem:$0x80E0];
	_ =	sdelay $0x4  }
0xb4: {  	v46 =	vshll.u32 v3, $0x1  }
0xb5: {  	v3 =	vand.u32 $0x7, v3;
	v4 =	vand.u32 $0xFFFFFFF0, v46  }
0xb6: {  	v3 =	vor.u32 v3, v4  }
0xb7: {  	v4 =	vperm.xlane v3, v0;
	_ =	sdelay $0x1  }
0xb8: {  	v3 =	vperm.xlane v3, v2;
	v4 =	vadd.s32 v1, v4;
	_ =	sdelay $0x1  }
0xb9: {  	v3 =	vadd.s32 v1, v3;
	_ =	sdelay $0x2  }
0xba: {  	[hbm4b:s3+s2] =	stream.indirect_vreg.scatter [tilespmem:s25], [sflag:$0x1], $0x80, v4, vm0, $0xb8;
	[tilespmem:$0x8200] =	vst v63  }
0xbb: {  	_ = 	snop  }
0xbc: {  	[hbm4b:s3+s2] =	stream.indirect_vreg.scatter [tilespmem:s26], [sflag:$0x1], $0x80, v3, vm0, $0xb8;
	[tilespmem:$0x8200] =	vst v63  }
0xbd: {  	v3 =	vld [tilespmem:$0x80F0];
	_ =	sdelay $0x4  }
0xbe: {  	v47 =	vshll.u32 v3, $0x1  }
0xbf: {  	v3 =	vand.u32 $0x7, v3;
	v4 =	vand.u32 $0xFFFFFFF0, v47  }
0xc0: {  	v3 =	vor.u32 v3, v4  }
0xc1: {  	v4 =	vperm.xlane v3, v0;
	_ =	sdelay $0x1  }
0xc2: {  	v3 =	vperm.xlane v3, v2;
	v4 =	vadd.s32 v1, v4;
	_ =	sdelay $0x1  }
0xc3: {  	v3 =	vadd.s32 v1, v3;
	_ =	sdelay $0x2  }
0xc4: {  	[hbm4b:s3+s2] =	stream.indirect_vreg.scatter [tilespmem:s28], [sflag:$0x1], $0x80, v4, vm0, $0xb8;
	[tilespmem:$0x8200] =	vst v63  }
0xc5: {  	_ = 	snop  }
0xc6: {  	[hbm4b:s3+s2] =	stream.indirect_vreg.scatter [tilespmem:s29], [sflag:$0x1], $0x80, v3, vm0, $0xb8;
	[tilespmem:$0x8200] =	vst v63  }
0xc7: {  	_ =	swait.ge [sflag:s13], $0x8000  }
0xc8: {  	[sflag:s13] =	ssyncset.done $0x0  }
0xc9: {  	[sflag:s13] =	ssyncadd.s32 $0xFFFF8000  }
0xca: {  	[tilespmem:s31], [sflag:$0x1] =	stream.linear.gather [hbm4b:s7+s2], $0x80, $0x38;
	[tilespmem:$0x8200] =	vst v63  }
0xcb: {  	_ =	swait.ge [sflag:s13], $0x80  }
0xcc: {  	[sflag:s13] =	ssyncset.done $0x0  }
0xcd: {  	[sflag:s13] =	ssyncadd.s32 $0xFFFFFF80  }
0xce: {  	[tilespmem:s2], [sflag:$0x1] =	stream.linear.gather [hbm4b:s8+s2], $0x8000, $0x38;
	[tilespmem:$0x8200] =	vst v63  }
0xcf: {  	_ =	swait.ge [sflag:s13], $0x8000  }
0xd0: {  	[sflag:s13] =	ssyncset.done $0x0  }
0xd1: {  	[sflag:s13] =	ssyncadd.s32 $0xFFFF8000  }
0xd2: {  	v3 =	vld [tilespmem:$0x8100];
	_ =	sdelay $0x4  }
0xd3: {  	v48 =	vshll.u32 v3, $0x1  }
0xd4: {  	v3 =	vand.u32 $0x7, v3;
	v4 =	vand.u32 $0xFFFFFFF0, v48  }
0xd5: {  	v3 =	vor.u32 v3, v4  }
0xd6: {  	v4 =	vperm.xlane v3, v0;
	_ =	sdelay $0x1  }
0xd7: {  	v3 =	vperm.xlane v3, v2;
	v4 =	vadd.s32 v1, v4;
	_ =	sdelay $0x1  }
0xd8: {  	v3 =	vadd.s32 v1, v3;
	_ =	sdelay $0x2  }
0xd9: {  	[hbm4b:s3+s2] =	stream.indirect_vreg.scatter [tilespmem:s2], [sflag:$0x1], $0x80, v4, vm0, $0xb8;
	[tilespmem:$0x8200] =	vst v63  }
0xda: {  	_ = 	snop  }
0xdb: {  	[hbm4b:s3+s2] =	stream.indirect_vreg.scatter [tilespmem:s14], [sflag:$0x1], $0x80, v3, vm0, $0xb8;
	[tilespmem:$0x8200] =	vst v63  }
0xdc: {  	v3 =	vld [tilespmem:$0x8110];
	_ =	sdelay $0x4  }
0xdd: {  	v49 =	vshll.u32 v3, $0x1  }
0xde: {  	v3 =	vand.u32 $0x7, v3;
	v4 =	vand.u32 $0xFFFFFFF0, v49  }
0xdf: {  	v3 =	vor.u32 v3, v4  }
0xe0: {  	v4 =	vperm.xlane v3, v0;
	_ =	sdelay $0x1  }
0xe1: {  	v3 =	vperm.xlane v3, v2;
	v4 =	vadd.s32 v1, v4;
	_ =	sdelay $0x1  }
0xe2: {  	v3 =	vadd.s32 v1, v3;
	_ =	sdelay $0x2  }
0xe3: {  	[hbm4b:s3+s2] =	stream.indirect_vreg.scatter [tilespmem:s15], [sflag:$0x1], $0x80, v4, vm0, $0xb8;
	[tilespmem:$0x8200] =	vst v63  }
0xe4: {  	_ = 	snop  }
0xe5: {  	[hbm4b:s3+s2] =	stream.indirect_vreg.scatter [tilespmem:s16], [sflag:$0x1], $0x80, v3, vm0, $0xb8;
	[tilespmem:$0x8200] =	vst v63  }
0xe6: {  	v3 =	vld [tilespmem:$0x8120];
	_ =	sdelay $0x4  }
0xe7: {  	v50 =	vshll.u32 v3, $0x1  }
0xe8: {  	v3 =	vand.u32 $0x7, v3;
	v4 =	vand.u32 $0xFFFFFFF0, v50  }
0xe9: {  	v3 =	vor.u32 v3, v4  }
0xea: {  	v4 =	vperm.xlane v3, v0;
	_ =	sdelay $0x1  }
0xeb: {  	v3 =	vperm.xlane v3, v2;
	v4 =	vadd.s32 v1, v4;
	_ =	sdelay $0x1  }
0xec: {  	v3 =	vadd.s32 v1, v3;
	_ =	sdelay $0x2  }
0xed: {  	[hbm4b:s3+s2] =	stream.indirect_vreg.scatter [tilespmem:s17], [sflag:$0x1], $0x80, v4, vm0, $0xb8;
	[tilespmem:$0x8200] =	vst v63  }
0xee: {  	_ = 	snop  }
0xef: {  	[hbm4b:s3+s2] =	stream.indirect_vreg.scatter [tilespmem:s18], [sflag:$0x1], $0x80, v3, vm0, $0xb8;
	[tilespmem:$0x8200] =	vst v63  }
0xf0: {  	v3 =	vld [tilespmem:$0x8130];
	_ =	sdelay $0x4  }
0xf1: {  	v51 =	vshll.u32 v3, $0x1  }
0xf2: {  	v3 =	vand.u32 $0x7, v3;
	v4 =	vand.u32 $0xFFFFFFF0, v51  }
0xf3: {  	v3 =	vor.u32 v3, v4  }
0xf4: {  	v4 =	vperm.xlane v3, v0;
	_ =	sdelay $0x1  }
0xf5: {  	v3 =	vperm.xlane v3, v2;
	v4 =	vadd.s32 v1, v4;
	_ =	sdelay $0x1  }
0xf6: {  	v3 =	vadd.s32 v1, v3;
	_ =	sdelay $0x2  }
0xf7: {  	[hbm4b:s3+s2] =	stream.indirect_vreg.scatter [tilespmem:s19], [sflag:$0x1], $0x80, v4, vm0, $0xb8;
	[tilespmem:$0x8200] =	vst v63  }
0xf8: {  	_ = 	snop  }
0xf9: {  	[hbm4b:s3+s2] =	stream.indirect_vreg.scatter [tilespmem:s20], [sflag:$0x1], $0x80, v3, vm0, $0xb8;
	[tilespmem:$0x8200] =	vst v63  }
0xfa: {  	v3 =	vld [tilespmem:$0x8140];
	_ =	sdelay $0x4  }
0xfb: {  	v52 =	vshll.u32 v3, $0x1  }
0xfc: {  	v3 =	vand.u32 $0x7, v3;
	v4 =	vand.u32 $0xFFFFFFF0, v52  }
0xfd: {  	v3 =	vor.u32 v3, v4  }
0xfe: {  	v4 =	vperm.xlane v3, v0;
	_ =	sdelay $0x1  }
0xff: {  	v3 =	vperm.xlane v3, v2;
	v4 =	vadd.s32 v1, v4;
	_ =	sdelay $0x1  }
0x100: {  	v3 =	vadd.s32 v1, v3;
	_ =	sdelay $0x2  }
0x101: {  	[hbm4b:s3+s2] =	stream.indirect_vreg.scatter [tilespmem:s21], [sflag:$0x1], $0x80, v4, vm0, $0xb8;
	[tilespmem:$0x8200] =	vst v63  }
0x102: {  	_ = 	snop  }
0x103: {  	[hbm4b:s3+s2] =	stream.indirect_vreg.scatter [tilespmem:s22], [sflag:$0x1], $0x80, v3, vm0, $0xb8;
	[tilespmem:$0x8200] =	vst v63  }
0x104: {  	v3 =	vld [tilespmem:$0x8150];
	_ =	sdelay $0x4  }
0x105: {  	v53 =	vshll.u32 v3, $0x1  }
0x106: {  	v3 =	vand.u32 $0x7, v3;
	v4 =	vand.u32 $0xFFFFFFF0, v53  }
0x107: {  	v3 =	vor.u32 v3, v4  }
0x108: {  	v4 =	vperm.xlane v3, v0;
	_ =	sdelay $0x1  }
0x109: {  	v3 =	vperm.xlane v3, v2;
	v4 =	vadd.s32 v1, v4;
	_ =	sdelay $0x1  }
0x10a: {  	v3 =	vadd.s32 v1, v3;
	_ =	sdelay $0x2  }
0x10b: {  	[hbm4b:s3+s2] =	stream.indirect_vreg.scatter [tilespmem:s23], [sflag:$0x1], $0x80, v4, vm0, $0xb8;
	[tilespmem:$0x8200] =	vst v63  }
0x10c: {  	_ = 	snop  }
0x10d: {  	[hbm4b:s3+s2] =	stream.indirect_vreg.scatter [tilespmem:s24], [sflag:$0x1], $0x80, v3, vm0, $0xb8;
	[tilespmem:$0x8200] =	vst v63  }
0x10e: {  	v3 =	vld [tilespmem:$0x8160];
	_ =	sdelay $0x4  }
0x10f: {  	v54 =	vshll.u32 v3, $0x1  }
0x110: {  	v3 =	vand.u32 $0x7, v3;
	v4 =	vand.u32 $0xFFFFFFF0, v54  }
0x111: {  	v3 =	vor.u32 v3, v4  }
0x112: {  	v4 =	vperm.xlane v3, v0;
	_ =	sdelay $0x1  }
0x113: {  	v3 =	vperm.xlane v3, v2;
	v4 =	vadd.s32 v1, v4;
	_ =	sdelay $0x1  }
0x114: {  	v3 =	vadd.s32 v1, v3;
	_ =	sdelay $0x2  }
0x115: {  	[hbm4b:s3+s2] =	stream.indirect_vreg.scatter [tilespmem:s25], [sflag:$0x1], $0x80, v4, vm0, $0xb8;
	[tilespmem:$0x8200] =	vst v63  }
0x116: {  	_ = 	snop  }
0x117: {  	[hbm4b:s3+s2] =	stream.indirect_vreg.scatter [tilespmem:s26], [sflag:$0x1], $0x80, v3, vm0, $0xb8;
	[tilespmem:$0x8200] =	vst v63  }
0x118: {  	v3 =	vld [tilespmem:$0x8170];
	_ =	sdelay $0x4  }
0x119: {  	v55 =	vshll.u32 v3, $0x1  }
0x11a: {  	v3 =	vand.u32 $0x7, v3;
	v4 =	vand.u32 $0xFFFFFFF0, v55  }
0x11b: {  	v3 =	vor.u32 v3, v4  }
0x11c: {  	v4 =	vperm.xlane v3, v0;
	_ =	sdelay $0x1  }
0x11d: {  	v3 =	vperm.xlane v3, v2;
	v4 =	vadd.s32 v1, v4;
	_ =	sdelay $0x1  }
0x11e: {  	v3 =	vadd.s32 v1, v3;
	_ =	sdelay $0x2  }
0x11f: {  	[hbm4b:s3+s2] =	stream.indirect_vreg.scatter [tilespmem:s28], [sflag:$0x1], $0x80, v4, vm0, $0xb8;
	[tilespmem:$0x8200] =	vst v63  }
0x120: {  	_ = 	snop  }
0x121: {  	[hbm4b:s3+s2] =	stream.indirect_vreg.scatter [tilespmem:s29], [sflag:$0x1], $0x80, v3, vm0, $0xb8;
	[tilespmem:$0x8200] =	vst v63  }
0x122: {  	_ =	swait.ge [sflag:s13], $0x8000  }
0x123: {  	[sflag:s13] =	ssyncset.done $0x0  }
0x124: {  	[sflag:s13] =	ssyncadd.s32 $0xFFFF8000  }
0x125: {  	[tilespmem:s0], [sflag:$0x1] =	stream.linear.gather [hbm4b:s9+s2], $0x80, $0x38;
	[tilespmem:$0x8200] =	vst v63  }
0x126: {  	_ =	swait.ge [sflag:s13], $0x80  }
0x127: {  	[sflag:s13] =	ssyncset.done $0x0  }
0x128: {  	[sflag:s13] =	ssyncadd.s32 $0xFFFFFF80  }
0x129: {  	[tilespmem:s2], [sflag:$0x1] =	stream.linear.gather [hbm4b:s10+s2], $0x8000, $0x38;
	[tilespmem:$0x8200] =	vst v63  }
0x12a: {  	_ =	swait.ge [sflag:s13], $0x8000  }
0x12b: {  	[sflag:s13] =	ssyncset.done $0x0  }
0x12c: {  	[sflag:s13] =	ssyncadd.s32 $0xFFFF8000  }
0x12d: {  	v3 =	vld [tilespmem:$0x8180];
	_ =	sdelay $0x4  }
0x12e: {  	v56 =	vshll.u32 v3, $0x1  }
0x12f: {  	v3 =	vand.u32 $0x7, v3;
	v4 =	vand.u32 $0xFFFFFFF0, v56  }
0x130: {  	v3 =	vor.u32 v3, v4  }
0x131: {  	v4 =	vperm.xlane v3, v0;
	_ =	sdelay $0x1  }
0x132: {  	v3 =	vperm.xlane v3, v2;
	v4 =	vadd.s32 v1, v4;
	_ =	sdelay $0x1  }
0x133: {  	v3 =	vadd.s32 v1, v3;
	_ =	sdelay $0x2  }
0x134: {  	[hbm4b:s3+s2] =	stream.indirect_vreg.scatter [tilespmem:s2], [sflag:$0x1], $0x80, v4, vm0, $0xb8;
	[tilespmem:$0x8200] =	vst v63  }
0x135: {  	_ = 	snop  }
0x136: {  	[hbm4b:s3+s2] =	stream.indirect_vreg.scatter [tilespmem:s14], [sflag:$0x1], $0x80, v3, vm0, $0xb8;
	[tilespmem:$0x8200] =	vst v63  }
0x137: {  	v3 =	vld [tilespmem:$0x8190];
	_ =	sdelay $0x4  }
0x138: {  	v57 =	vshll.u32 v3, $0x1  }
0x139: {  	v3 =	vand.u32 $0x7, v3;
	v4 =	vand.u32 $0xFFFFFFF0, v57  }
0x13a: {  	v3 =	vor.u32 v3, v4  }
0x13b: {  	v4 =	vperm.xlane v3, v0;
	_ =	sdelay $0x1  }
0x13c: {  	v3 =	vperm.xlane v3, v2;
	v4 =	vadd.s32 v1, v4;
	_ =	sdelay $0x1  }
0x13d: {  	v3 =	vadd.s32 v1, v3;
	_ =	sdelay $0x2  }
0x13e: {  	[hbm4b:s3+s2] =	stream.indirect_vreg.scatter [tilespmem:s15], [sflag:$0x1], $0x80, v4, vm0, $0xb8;
	[tilespmem:$0x8200] =	vst v63  }
0x13f: {  	_ = 	snop  }
0x140: {  	[hbm4b:s3+s2] =	stream.indirect_vreg.scatter [tilespmem:s16], [sflag:$0x1], $0x80, v3, vm0, $0xb8;
	[tilespmem:$0x8200] =	vst v63  }
0x141: {  	v3 =	vld [tilespmem:$0x81A0];
	_ =	sdelay $0x4  }
0x142: {  	v58 =	vshll.u32 v3, $0x1  }
0x143: {  	v3 =	vand.u32 $0x7, v3;
	v4 =	vand.u32 $0xFFFFFFF0, v58  }
0x144: {  	v3 =	vor.u32 v3, v4  }
0x145: {  	v4 =	vperm.xlane v3, v0;
	_ =	sdelay $0x1  }
0x146: {  	v3 =	vperm.xlane v3, v2;
	v4 =	vadd.s32 v1, v4;
	_ =	sdelay $0x1  }
0x147: {  	v3 =	vadd.s32 v1, v3;
	_ =	sdelay $0x2  }
0x148: {  	[hbm4b:s3+s2] =	stream.indirect_vreg.scatter [tilespmem:s17], [sflag:$0x1], $0x80, v4, vm0, $0xb8;
	[tilespmem:$0x8200] =	vst v63  }
0x149: {  	_ = 	snop  }
0x14a: {  	[hbm4b:s3+s2] =	stream.indirect_vreg.scatter [tilespmem:s18], [sflag:$0x1], $0x80, v3, vm0, $0xb8;
	[tilespmem:$0x8200] =	vst v63  }
0x14b: {  	v3 =	vld [tilespmem:$0x81B0];
	_ =	sdelay $0x4  }
0x14c: {  	v59 =	vshll.u32 v3, $0x1  }
0x14d: {  	v3 =	vand.u32 $0x7, v3;
	v4 =	vand.u32 $0xFFFFFFF0, v59  }
0x14e: {  	v3 =	vor.u32 v3, v4  }
0x14f: {  	v4 =	vperm.xlane v3, v0;
	_ =	sdelay $0x1  }
0x150: {  	v3 =	vperm.xlane v3, v2;
	v4 =	vadd.s32 v1, v4;
	_ =	sdelay $0x1  }
0x151: {  	v3 =	vadd.s32 v1, v3;
	_ =	sdelay $0x2  }
0x152: {  	[hbm4b:s3+s2] =	stream.indirect_vreg.scatter [tilespmem:s19], [sflag:$0x1], $0x80, v4, vm0, $0xb8;
	[tilespmem:$0x8200] =	vst v63  }
0x153: {  	_ = 	snop  }
0x154: {  	[hbm4b:s3+s2] =	stream.indirect_vreg.scatter [tilespmem:s20], [sflag:$0x1], $0x80, v3, vm0, $0xb8;
	[tilespmem:$0x8200] =	vst v63  }
0x155: {  	v3 =	vld [tilespmem:$0x81C0];
	_ =	sdelay $0x4  }
0x156: {  	v60 =	vshll.u32 v3, $0x1  }
0x157: {  	v3 =	vand.u32 $0x7, v3;
	v4 =	vand.u32 $0xFFFFFFF0, v60  }
0x158: {  	v3 =	vor.u32 v3, v4  }
0x159: {  	v4 =	vperm.xlane v3, v0;
	_ =	sdelay $0x1  }
0x15a: {  	v3 =	vperm.xlane v3, v2;
	v4 =	vadd.s32 v1, v4;
	_ =	sdelay $0x1  }
0x15b: {  	v3 =	vadd.s32 v1, v3;
	_ =	sdelay $0x2  }
0x15c: {  	[hbm4b:s3+s2] =	stream.indirect_vreg.scatter [tilespmem:s21], [sflag:$0x1], $0x80, v4, vm0, $0xb8;
	[tilespmem:$0x8200] =	vst v63  }
0x15d: {  	_ = 	snop  }
0x15e: {  	[hbm4b:s3+s2] =	stream.indirect_vreg.scatter [tilespmem:s22], [sflag:$0x1], $0x80, v3, vm0, $0xb8;
	[tilespmem:$0x8200] =	vst v63  }
0x15f: {  	v3 =	vld [tilespmem:$0x81D0];
	_ =	sdelay $0x4  }
0x160: {  	v61 =	vshll.u32 v3, $0x1  }
0x161: {  	v3 =	vand.u32 $0x7, v3;
	v4 =	vand.u32 $0xFFFFFFF0, v61  }
0x162: {  	v3 =	vor.u32 v3, v4  }
0x163: {  	v4 =	vperm.xlane v3, v0;
	_ =	sdelay $0x1  }
0x164: {  	v3 =	vperm.xlane v3, v2;
	v4 =	vadd.s32 v1, v4;
	_ =	sdelay $0x1  }
0x165: {  	v3 =	vadd.s32 v1, v3;
	_ =	sdelay $0x2  }
0x166: {  	[hbm4b:s3+s2] =	stream.indirect_vreg.scatter [tilespmem:s23], [sflag:$0x1], $0x80, v4, vm0, $0xb8;
	[tilespmem:$0x8200] =	vst v63  }
0x167: {  	_ = 	snop  }
0x168: {  	[hbm4b:s3+s2] =	stream.indirect_vreg.scatter [tilespmem:s24], [sflag:$0x1], $0x80, v3, vm0, $0xb8;
	[tilespmem:$0x8200] =	vst v63  }
0x169: {  	v3 =	vld [tilespmem:$0x81E0];
	_ =	sdelay $0x4  }
0x16a: {  	v62 =	vshll.u32 v3, $0x1  }
0x16b: {  	v3 =	vand.u32 $0x7, v3;
	v4 =	vand.u32 $0xFFFFFFF0, v62  }
0x16c: {  	v3 =	vor.u32 v3, v4  }
0x16d: {  	v4 =	vperm.xlane v3, v0;
	_ =	sdelay $0x1  }
0x16e: {  	v3 =	vperm.xlane v3, v2;
	v4 =	vadd.s32 v1, v4;
	_ =	sdelay $0x1  }
0x16f: {  	v3 =	vadd.s32 v1, v3;
	_ =	sdelay $0x2  }
0x170: {  	[hbm4b:s3+s2] =	stream.indirect_vreg.scatter [tilespmem:s25], [sflag:$0x1], $0x80, v4, vm0, $0xb8;
	[tilespmem:$0x8200] =	vst v63  }
0x171: {  	_ = 	snop  }
0x172: {  	[hbm4b:s3+s2] =	stream.indirect_vreg.scatter [tilespmem:s26], [sflag:$0x1], $0x80, v3, vm0, $0xb8;
	[tilespmem:$0x8200] =	vst v63  }
0x173: {  	v3 =	vld [tilespmem:$0x81F0];
	_ =	sdelay $0x4  }
0x174: {  	v63 =	vshll.u32 v3, $0x1  }
0x175: {  	v3 =	vand.u32 $0x7, v3;
	v4 =	vand.u32 $0xFFFFFFF0, v63  }
0x176: {  	v3 =	vor.u32 v3, v4  }
0x177: {  	v4 =	vperm.xlane v3, v0;
	_ =	sdelay $0x1  }
0x178: {  	v3 =	vperm.xlane v3, v2;
	v4 =	vadd.s32 v1, v4;
	_ =	sdelay $0x1  }
0x179: {  	v3 =	vadd.s32 v1, v3;
	_ =	sdelay $0x1  }
0x17a: {  	p0 =	sne.s32 s11, $0x1  }
0x17b: {  	[hbm4b:s3+s2] =	stream.indirect_vreg.scatter [tilespmem:s28], [sflag:$0x1], $0x80, v4, vm0, $0xb8;
	[tilespmem:$0x8200] =	vst v63  }
.Ltmp0:
0x17c: {  	_ = 	snop;
	(pc) =	sbr.rel @p0 .LBB2_1-.Ltmp0, $4  }
0x17d: {  	[hbm4b:s3+s2] =	stream.indirect_vreg.scatter [tilespmem:s29], [sflag:$0x1], $0x80, v3, vm0, $0xb8;
	[tilespmem:$0x8200] =	vst v63  }
0x17e: {  	_ =	swait.ge [sflag:s13], $0x8000  }
0x17f: {  	[sflag:s13] =	ssyncset.done $0x0  }
0x180: {  	s11 =	sadd.s32 $0xFFFFFFFF, s11;
	[sflag:s13] =	ssyncadd.s32 $0xFFFF8000  }
0x181: {  	_ =	sfence.sel $0x180000  }
0x182: {  	[bflag:$0x0] =	sbarrier.arrive $0xFFFF  }
0x183: {  	_ =	strace $0x90000047  }
0x184: {  	s0 =	stileid.u32;
	[bflag:$0x2] =	sbarrier.arrive $0xFFFF  }
0x185: {  	p0 =	sne.s32 s0, $0x0;
	s0 =	rddreg [dreg:$0x2]  }
0x186: {  	s0 =	sadd.s32 @!p0 $0x100000, s0  }
0x187: {  	[sflag:s0] =	ssyncadd.tile.s32 @!p0 $0x1;
	_ =	shalt  }
.Lfunc_end2:
_tile_overlayer_lowered:
.L_overlay_start_2:
0x188: {  	(tag) =	ssettag $0x2  }
0x189: {  	s0 =	rddreg [dreg:$0x0];
	s2 =	stileid.u32  }
0x18a: {  	s1 =	rddreg [dreg:$0x1];
	p0 =	sne.s32 s2, $0x0  }
0x18b: {  	s3 =	rddreg [dreg:$0x2];
	[bflag:$0x3] =	sbarrier.arrive $0xFFFF;
	s2 =	simm.s32 @!p0 $0x1C01  }
0x18c: {  	[timem:s3], [sflag:s2] =	dma.local @!p0 [hbm:s0], s1  }
0x18d: {  	s0 =	simm.s32 @!p0 $0x1  }
0x18e: {  	_ =	swait.ge @!p0 [sflag:s0], s1  }
0x18f: {  	s1 =	ssub.s32 @!p0 $0x0, s1;
	[sflag:s0] =	ssyncset.done @!p0 $0x0  }
0x190: {  	[sflag:s0] =	ssyncadd.s32 @!p0 s1  }
0x191: {  	[bflag:$0x3] =	sbarrier.arrive $0xFFFF  }
0x192: {  	_ =	shalt  }

</sc_bundles>
